<compile_context>
chip_gen: v7x
topology: tpu7x:2x2x1
jax: 0.10.2.dev20260603
libtpu: 0.0.44.dev20260713+nightly
codegen_flags: <defaults>
</compile_context>

<pallas_src>
import functools

import jax
import jax.numpy as jnp
from jax import lax
from jax.experimental import pallas as pl
from jax.experimental.pallas import tpu as pltpu
from jax.experimental.pallas import tpu_sc as plsc

NC = 2
NS = 16
NW = NC * NS
G = 128
CH = 128
NCLS = 40
ALPHA = 1.0
BETA = 1.0e-1
NPOW = 10


@functools.partial(jax.jit, static_argnames=("n_rows", "nb"))
def _spmm_call(v, colp, rowp, zeros_blk, iota, *, n_rows, nb):
    d = v.shape[1]
    nch = n_rows // CH
    mesh = plsc.VectorSubcoreMesh(core_axis_name="c", subcore_axis_name="s")

    @functools.partial(
        pl.kernel,
        out_type=jax.ShapeDtypeStruct((NC, n_rows, d), jnp.float32),
        mesh=mesh,
        scratch_types=[
            pltpu.VMEM((nb * G,), jnp.int32),
            pltpu.VMEM((nb, G), jnp.int32),
            pltpu.VMEM((G, d), jnp.float32),
            pltpu.VMEM_SHARED((n_rows, d), jnp.float32),
            pltpu.SemaphoreType.DMA,
            pltpu.SemaphoreType.DMA,
        ],
    )
    def spmm(v_hbm, colp_hbm, rowp_hbm, z_hbm, iota_hbm, acc_hbm,
             cidxf, ridx2, rows, acc_sh, sem, sem2):
        c = lax.axis_index("c")
        s = lax.axis_index("s")
        wid = s * NC + c

        rpt = n_rows // NS
        nck = rpt // CH
        pltpu.sync_copy(z_hbm, rows)
        for k in range(nck):
            pltpu.sync_copy(iota_hbm.at[pl.ds(s * rpt + k * CH, CH)], ridx2.at[0])
            pltpu.async_copy(rows, acc_sh.at[ridx2.at[0]], sem).wait()

        pltpu.sync_copy(colp_hbm.at[pl.ds(wid * nb * G, nb * G)], cidxf)
        pltpu.sync_copy(rowp_hbm.at[wid], ridx2)
        plsc.subcore_barrier()

        def body(b, carry):
            pltpu.async_copy(v_hbm.at[cidxf.at[pl.ds(b * G, G)]], rows, sem2).wait()
            pltpu.sync_copy(rows, acc_sh.at[ridx2.at[b]], add=True)
            return carry

        lax.fori_loop(0, nb, body, 0, unroll=False)
        plsc.subcore_barrier()

        for k in range(nck):
            pltpu.sync_copy(iota_hbm.at[pl.ds(s * rpt + k * CH, CH)], ridx2.at[0])
            pltpu.async_copy(acc_sh.at[ridx2.at[0]], rows, sem2).wait()
            pltpu.sync_copy(rows, acc_hbm.at[c, pl.ds(s * rpt + k * CH, CH)])

    return spmm(v, colp, rowp, zeros_blk, iota)



@functools.partial(jax.jit, static_argnames=("n_rows", "nb"))
def _deg_call(rowp, ones_blk, zeros_blk, iota, *, n_rows, nb):
    d = ones_blk.shape[1]
    mesh = plsc.VectorSubcoreMesh(core_axis_name="c", subcore_axis_name="s")

    @functools.partial(
        pl.kernel,
        out_type=jax.ShapeDtypeStruct((NC, n_rows, d), jnp.float32),
        mesh=mesh,
        scratch_types=[
            pltpu.VMEM((nb, G), jnp.int32),
            pltpu.VMEM((G, d), jnp.float32),
            pltpu.VMEM_SHARED((n_rows, d), jnp.float32),
            pltpu.SemaphoreType.DMA,
            pltpu.SemaphoreType.DMA,
        ],
    )
    def deg(rowp_hbm, ones_hbm, z_hbm, iota_hbm, acc_hbm,
            ridx2, rows, acc_sh, sem, sem2):
        c = lax.axis_index("c")
        s = lax.axis_index("s")
        wid = s * NC + c

        rpt = n_rows // NS
        nck = rpt // CH
        pltpu.sync_copy(z_hbm, rows)
        for k in range(nck):
            pltpu.sync_copy(iota_hbm.at[pl.ds(s * rpt + k * CH, CH)], ridx2.at[0])
            pltpu.async_copy(rows, acc_sh.at[ridx2.at[0]], sem).wait()

        pltpu.sync_copy(rowp_hbm.at[wid], ridx2)
        pltpu.sync_copy(ones_hbm, rows)
        plsc.subcore_barrier()

        def body(b, carry):
            pltpu.sync_copy(rows, acc_sh.at[ridx2.at[b]], add=True)
            return carry

        lax.fori_loop(0, nb, body, 0, unroll=False)
        plsc.subcore_barrier()

        for k in range(nck):
            pltpu.sync_copy(iota_hbm.at[pl.ds(s * rpt + k * CH, CH)], ridx2.at[0])
            pltpu.async_copy(acc_sh.at[ridx2.at[0]], rows, sem2).wait()
            pltpu.sync_copy(rows, acc_hbm.at[c, pl.ds(s * rpt + k * CH, CH)])

    return deg(rowp, ones_blk, zeros_blk, iota)


def _prep_call(x, deg2, y2, tm2):
    n, d = x.shape

    def body(x_ref, deg_ref, y_ref, tm_ref, xc_ref, rinv_ref, yraw_ref, ysc_ref):
        xv = x_ref[...]
        xc_ref[...] = xv - jnp.mean(xv, axis=0, keepdims=True)
        degv = deg_ref[0, :n, 0:1] + deg_ref[1, :n, 0:1]
        rinv_ref[...] = 1.0 / degv
        cls_ids = lax.broadcasted_iota(jnp.int32, (1, NCLS), 1)
        yv = jnp.where((y_ref[...] == cls_ids) & (tm_ref[...] > 0.5), 1.0, 0.0)
        yraw_ref[...] = yv
        cnt = jnp.sum(yv, axis=0, keepdims=True)
        ysc_ref[...] = yv / (cnt + 1e-8)

    return pl.pallas_call(
        body,
        out_shape=(
            jax.ShapeDtypeStruct((n, d), jnp.float32),
            jax.ShapeDtypeStruct((n, 1), jnp.float32),
            jax.ShapeDtypeStruct((n, NCLS), jnp.float32),
            jax.ShapeDtypeStruct((n, NCLS), jnp.float32),
        ),
    )(x, deg2, y2, tm2)


def _rest_call(v, xc, yraw, ysc):
    n, d = v.shape
    ca = ALPHA / (1.0 + ALPHA)
    cx = 1.0 / (1.0 + ALPHA)

    def body(v_ref, xc_ref, yraw_ref, ysc_ref, out_ref):
        vv = v_ref[...]
        cls = lax.dot_general(yraw_ref[...], vv, (((0,), (0,)), ((), ())),
                              preferred_element_type=jnp.float32)
        part2 = jnp.dot(ysc_ref[...], cls, preferred_element_type=jnp.float32)
        out_ref[...] = (ca * BETA) * part2 + cx * xc_ref[...]

    return pl.pallas_call(
        body,
        out_shape=jax.ShapeDtypeStruct((n, d), jnp.float32),
    )(v, xc, yraw, ysc)


def _finish_call(acc, rest, rinv):
    n, d = rest.shape
    ca = ALPHA / (1.0 + ALPHA)

    def body(acc_ref, rest_ref, rinv_ref, out_ref):
        p1 = (acc_ref[0, :n, :] + acc_ref[1, :n, :]) * rinv_ref[...]
        out_ref[...] = (ca * (1.0 - BETA)) * p1 + rest_ref[...]

    return pl.pallas_call(
        body,
        out_shape=jax.ShapeDtypeStruct((n, d), jnp.float32),
    )(acc, rest, rinv)


def _final_call(v, weight, bias):
    n = v.shape[0]
    nout = weight.shape[1]

    def body(v_ref, w_ref, b_ref, out_ref):
        out_ref[...] = (jnp.dot(v_ref[...], w_ref[...],
                                preferred_element_type=jnp.float32)
                        + b_ref[...])

    return pl.pallas_call(
        body,
        out_shape=jax.ShapeDtypeStruct((n, nout), jnp.float32),
    )(v, weight, bias)


def kernel(x, edge_index, y, train_mask, weight, bias):
    n, d = x.shape
    e = edge_index.shape[1]
    et = e + n

    n_rows = -(-(n + 32) // (NS * CH)) * (NS * CH)
    per_tile = -(-et // NW)
    per_tile = -(-per_tile // G) * G
    nb = per_tile // G
    tot = per_tile * NW
    pad = tot - et

    sl = jnp.arange(n, dtype=jnp.int32)
    row = jnp.concatenate([edge_index[0], sl,
                           n + (jnp.arange(pad, dtype=jnp.int32) % 32)])
    row = row.reshape(NW, nb, G)
    col = jnp.concatenate([edge_index[1], sl,
                           jnp.arange(pad, dtype=jnp.int32) % n])

    zeros_blk = jnp.zeros((CH, d), dtype=jnp.float32)
    ones_blk = jnp.ones((G, d), dtype=jnp.float32)
    iota = jnp.arange(n_rows, dtype=jnp.int32)

    deg2 = _deg_call(row, ones_blk, zeros_blk, iota, n_rows=n_rows, nb=nb)
    xc, rinv, yraw, ysc = _prep_call(
        x, deg2, y.reshape(n, 1),
        train_mask.reshape(n, 1).astype(jnp.float32))

    v = xc
    for _ in range(NPOW):
        acc = _spmm_call(v, col, row, zeros_blk, iota, n_rows=n_rows, nb=nb)
        rest = _rest_call(v, xc, yraw, ysc)
        v = _finish_call(acc, rest, rinv)

    return _final_call(v, weight, bias)

# --- scband reference (transcript-rebuilt; emitter-appended) ---
"""Pipeline reference for scband-gpcalayer-30107720745358 (READ-ONLY COPY).

The authoritative reference and input builder live on the scoring server;
editing this copy changes nothing except your own understanding.
"""

import jax, jax.numpy as jnp
import numpy as np

N = 10000
E = 320000
DFEAT = 128
NOUT = 128
NCLS = 40
ALPHA = 1.0
BETA = 0.1
NPOW = 10


def setup_inputs(seed: int = 0) -> dict:
    key = jax.random.key(seed)
    k1, k2, k3, k4, k5 = jax.random.split(key, 5)
    x = jax.random.normal(k1, (N, DFEAT), dtype=jnp.float32)
    edge_index = jax.random.randint(k2, (2, E), 0, N).astype(jnp.int32)
    y = jax.random.randint(k3, (N,), 0, NCLS).astype(jnp.int32)
    train_mask = jax.random.randint(k4, (N,), 0, 2).astype(jnp.bool_)
    lim = float(np.sqrt(6.0 / (DFEAT + NOUT)))
    weight = jax.random.uniform(k5, (DFEAT, NOUT), dtype=jnp.float32, minval=-lim, maxval=lim)
    bias = jnp.zeros((1, NOUT), dtype=jnp.float32)
    return {"x": x, "edge_index": edge_index, "y": y, "train_mask": train_mask, "weight": weight, "bias": bias}


def reference(x, edge_index, y, train_mask, weight, bias):
    # --- to_normalized_sparsetensor(edge_index, N, mode='DA') with set_diag() ---
    row = edge_index[0]
    col = edge_index[1]
    sl = jnp.arange(N, dtype=row.dtype)
    row = jnp.concatenate([row, sl])
    col = jnp.concatenate([col, sl])
    deg = jax.ops.segment_sum(jnp.ones(row.shape[0], dtype=jnp.float32), row, num_segments=N)
    deg_inv_sqrt = jnp.where(deg > 0, deg ** -0.5, 0.0)
    # DA mode: val[e] = deg_inv_sqrt[row]^2  (i.e. D^{-1} A, row-scaled)
    val = (deg_inv_sqrt * deg_inv_sqrt)[row]
    # --- y_train sparse label matrix [N, C]: 1 at (i, y[i]) for train nodes ---
    Y = jnp.zeros((N, NCLS), dtype=jnp.float32).at[jnp.arange(N), y].set(train_mask.astype(jnp.float32))
    # --- center ---
    xc = x - x.mean(axis=0)
    # --- approximate_invphi_x power iteration ---
    yyt_normalizer = Y @ (Y.sum(axis=0)[:, None]) + 1e-08
    invphi_x = xc
    for _ in range(NPOW):
        part1 = jax.ops.segment_sum(val[:, None] * invphi_x[col], row, num_segments=N)
        part2 = Y @ (Y.T @ invphi_x) / yyt_normalizer
        part1 = (1.0 - BETA) * part1 + BETA * part2
        invphi_x = ALPHA / (1.0 + ALPHA) * part1 + 1.0 / (1.0 + ALPHA) * xc
    return invphi_x @ weight + bias

if __name__ == "__main__":
    import jax
    _d = setup_inputs()
    print(jax.jit(kernel)(*tuple(_d.values())))

</pallas_src>

<mosaic_0001>
#map = affine_map<(d0, d1) -> (0, 0, 0)>
#map1 = affine_map<(d0, d1) -> (0, 0)>
#map2 = affine_map<(d0, d1) -> (0)>
module attributes {stable_mosaic.version = 14 : i64} {
  func.func @deg(%arg0: i32, %arg1: i32, %arg2: memref<32x81x128xi32, #tpu.memory_space<hbm>>, %arg3: memref<128x128xf32, #tpu.memory_space<hbm>>, %arg4: memref<128x128xf32, #tpu.memory_space<hbm>>, %arg5: memref<10240xi32, #tpu.memory_space<hbm>>, %arg6: memref<2x10240x128xf32, #tpu.memory_space<hbm>>, %arg7: memref<81x128xi32, #tpu.memory_space<vmem>>, %arg8: memref<128x128xf32, #tpu.memory_space<vmem>>, %arg9: memref<10240x128xf32, #tpu.memory_space<vmem_shared>>, %arg10: memref<!tpu.dma_semaphore, #tpu.memory_space<semaphore_mem>>, %arg11: memref<!tpu.dma_semaphore, #tpu.memory_space<semaphore_mem>>) attributes {dimension_semantics = [#tpu.dimension_semantics<core_parallel>, #tpu.dimension_semantics<subcore_parallel>], iteration_bounds = array<i64: 2, 16>, scalar_prefetch = 0 : i64, scratch_operands = 5 : i64, tpu.core_type = #tpu.core_type<sc_vector_subcore>, window_params = [{transform_indices = #map}, {transform_indices = #map1}, {transform_indices = #map1}, {transform_indices = #map2}, {transform_indices = #map}]} {
    %mul3A = arith.constant 2 : i32
    %mul3A_0 = arith.muli %arg1, %mul3A : i32
    %add3A = arith.addi %mul3A_0, %arg0 : i32
    "tpu.region"() ({
      %run_scoped3A_214 = tpu.sem_alloc : memref<!tpu.dma_semaphore, #tpu.memory_space<semaphore_mem>>
      tpu.enqueue_dma source(%arg4 : memref<128x128xf32, #tpu.memory_space<hbm>>) target(%arg8 : memref<128x128xf32, #tpu.memory_space<vmem>>) target_semaphore(%run_scoped3A_214 : memref<!tpu.dma_semaphore, #tpu.memory_space<semaphore_mem>>)
      tpu.wait_dma2 semaphore(%run_scoped3A_214 : memref<!tpu.dma_semaphore, #tpu.memory_space<semaphore_mem>>) src(%arg4 : memref<128x128xf32, #tpu.memory_space<hbm>>) dst(%arg8 : memref<128x128xf32, #tpu.memory_space<vmem>>)
      tpu.yield
    }) : () -> ()
    %mul3A_1 = arith.constant 640 : i32
    %mul3A_2 = arith.muli %arg1, %mul3A_1 : i32
    %add3A_3 = arith.constant 0 : i32
    %add3A_4 = arith.addi %mul3A_2, %add3A_3 : i32
    %run_scoped3A = arith.constant 0 : i32
    "tpu.region"() ({
      %run_scoped3A_214 = tpu.sem_alloc : memref<!tpu.dma_semaphore, #tpu.memory_space<semaphore_mem>>
      %dma_start3A_215 = arith.constant 0 : i32
      %dma_start3A_216 = tpu.memref_slice %arg7[%run_scoped3A, %dma_start3A_215] : memref<81x128xi32, #tpu.memory_space<vmem>> -> memref<1x128xi32, #tpu.memory_space<vmem>>
      %dma_start3A_217 = tpu.memref_squeeze %dma_start3A_216 : memref<1x128xi32, #tpu.memory_space<vmem>> -> memref<128xi32, #tpu.memory_space<vmem>>
      %dma_start3A_218 = tpu.memref_slice %arg5[%add3A_4] : memref<10240xi32, #tpu.memory_space<hbm>> -> memref<128xi32, #tpu.memory_space<hbm>>
      %dma_start3A_219 = arith.constant 0 : i32
      %dma_start3A_220 = tpu.memref_slice %arg7[%run_scoped3A, %dma_start3A_219] : memref<81x128xi32, #tpu.memory_space<vmem>> -> memref<1x128xi32, #tpu.memory_space<vmem>>
      %dma_start3A_221 = tpu.memref_squeeze %dma_start3A_220 : memref<1x128xi32, #tpu.memory_space<vmem>> -> memref<128xi32, #tpu.memory_space<vmem>>
      %dma_start3A_222 = tpu.memref_slice %arg5[%add3A_4] : memref<10240xi32, #tpu.memory_space<hbm>> -> memref<128xi32, #tpu.memory_space<hbm>>
      tpu.enqueue_dma source(%dma_start3A_222 : memref<128xi32, #tpu.memory_space<hbm>>) target(%dma_start3A_221 : memref<128xi32, #tpu.memory_space<vmem>>) target_semaphore(%run_scoped3A_214 : memref<!tpu.dma_semaphore, #tpu.memory_space<semaphore_mem>>)
      %dma_wait3A_223 = arith.constant 0 : i32
      %dma_wait3A_224 = tpu.memref_slice %arg7[%run_scoped3A, %dma_wait3A_223] : memref<81x128xi32, #tpu.memory_space<vmem>> -> memref<1x128xi32, #tpu.memory_space<vmem>>
      %dma_wait3A_225 = tpu.memref_squeeze %dma_wait3A_224 : memref<1x128xi32, #tpu.memory_space<vmem>> -> memref<128xi32, #tpu.memory_space<vmem>>
      %dma_wait3A_226 = tpu.memref_slice %arg5[%add3A_4] : memref<10240xi32, #tpu.memory_space<hbm>> -> memref<128xi32, #tpu.memory_space<hbm>>
      %dma_wait3A_227 = arith.constant 0 : i32
      %dma_wait3A_228 = tpu.memref_slice %arg7[%run_scoped3A, %dma_wait3A_227] : memref<81x128xi32, #tpu.memory_space<vmem>> -> memref<1x128xi32, #tpu.memory_space<vmem>>
      %dma_wait3A_229 = tpu.memref_squeeze %dma_wait3A_228 : memref<1x128xi32, #tpu.memory_space<vmem>> -> memref<128xi32, #tpu.memory_space<vmem>>
      %dma_wait3A_230 = tpu.memref_slice %arg5[%add3A_4] : memref<10240xi32, #tpu.memory_space<hbm>> -> memref<128xi32, #tpu.memory_space<hbm>>
      tpu.wait_dma2 semaphore(%run_scoped3A_214 : memref<!tpu.dma_semaphore, #tpu.memory_space<semaphore_mem>>) src(%dma_wait3A_230 : memref<128xi32, #tpu.memory_space<hbm>>) dst(%dma_wait3A_229 : memref<128xi32, #tpu.memory_space<vmem>>)
      tpu.yield
    }) : () -> ()
    %dma_start3A = arith.constant 0 : i32
    %dma_start3A_5 = arith.constant 0 : i32
    %dma_start3A_6 = tpu.memref_slice %arg7[%dma_start3A, %dma_start3A_5] : memref<81x128xi32, #tpu.memory_space<vmem>> -> memref<1x128xi32, #tpu.memory_space<vmem>>
    %dma_start3A_7 = tpu.memref_squeeze %dma_start3A_6 : memref<1x128xi32, #tpu.memory_space<vmem>> -> memref<128xi32, #tpu.memory_space<vmem>>
    %dma_start3A_8 = arith.constant 0 : i32
    %dma_start3A_9 = arith.constant 0 : i32
    %dma_start3A_10 = tpu.memref_slice %arg9[%dma_start3A_8, %dma_start3A_9] : memref<10240x128xf32, #tpu.memory_space<vmem_shared>> -> memref<10240x128xf32, #tpu.memory_space<vmem_shared>>
    tpu.enqueue_indirect_dma source(%arg8 : memref<128x128xf32, #tpu.memory_space<vmem>>) target(%dma_start3A_10 : memref<10240x128xf32, #tpu.memory_space<vmem_shared>>) offsets(%dma_start3A_7 : memref<128xi32, #tpu.memory_space<vmem>>) semaphore(%arg10 : memref<!tpu.dma_semaphore, #tpu.memory_space<semaphore_mem>>)
    %dma_wait3A = arith.constant 0 : i32
    %dma_wait3A_11 = arith.constant 0 : i32
    %dma_wait3A_12 = tpu.memref_slice %arg7[%dma_wait3A, %dma_wait3A_11] : memref<81x128xi32, #tpu.memory_space<vmem>> -> memref<1x128xi32, #tpu.memory_space<vmem>>
    %dma_wait3A_13 = tpu.memref_squeeze %dma_wait3A_12 : memref<1x128xi32, #tpu.memory_space<vmem>> -> memref<128xi32, #tpu.memory_space<vmem>>
    %dma_wait3A_14 = arith.constant 0 : i32
    %dma_wait3A_15 = arith.constant 0 : i32
    %dma_wait3A_16 = tpu.memref_slice %arg9[%dma_wait3A_14, %dma_wait3A_15] : memref<10240x128xf32, #tpu.memory_space<vmem_shared>> -> memref<10240x128xf32, #tpu.memory_space<vmem_shared>>
    tpu.wait_indirect_dma semaphore(%arg10 : memref<!tpu.dma_semaphore, #tpu.memory_space<semaphore_mem>>) src(%arg8 : memref<128x128xf32, #tpu.memory_space<vmem>>) dst(%dma_wait3A_16 : memref<10240x128xf32, #tpu.memory_space<vmem_shared>>)
    %mul3A_17 = arith.constant 640 : i32
    %mul3A_18 = arith.muli %arg1, %mul3A_17 : i32
    %add3A_19 = arith.constant 128 : i32
    %add3A_20 = arith.addi %mul3A_18, %add3A_19 : i32
    %run_scoped3A_21 = arith.constant 0 : i32
    "tpu.region"() ({
      %run_scoped3A_214 = tpu.sem_alloc : memref<!tpu.dma_semaphore, #tpu.memory_space<semaphore_mem>>
      %dma_start3A_215 = arith.constant 0 : i32
      %dma_start3A_216 = tpu.memref_slice %arg7[%run_scoped3A_21, %dma_start3A_215] : memref<81x128xi32, #tpu.memory_space<vmem>> -> memref<1x128xi32, #tpu.memory_space<vmem>>
      %dma_start3A_217 = tpu.memref_squeeze %dma_start3A_216 : memref<1x128xi32, #tpu.memory_space<vmem>> -> memref<128xi32, #tpu.memory_space<vmem>>
      %dma_start3A_218 = tpu.memref_slice %arg5[%add3A_20] : memref<10240xi32, #tpu.memory_space<hbm>> -> memref<128xi32, #tpu.memory_space<hbm>>
      %dma_start3A_219 = arith.constant 0 : i32
      %dma_start3A_220 = tpu.memref_slice %arg7[%run_scoped3A_21, %dma_start3A_219] : memref<81x128xi32, #tpu.memory_space<vmem>> -> memref<1x128xi32, #tpu.memory_space<vmem>>
      %dma_start3A_221 = tpu.memref_squeeze %dma_start3A_220 : memref<1x128xi32, #tpu.memory_space<vmem>> -> memref<128xi32, #tpu.memory_space<vmem>>
      %dma_start3A_222 = tpu.memref_slice %arg5[%add3A_20] : memref<10240xi32, #tpu.memory_space<hbm>> -> memref<128xi32, #tpu.memory_space<hbm>>
      tpu.enqueue_dma source(%dma_start3A_222 : memref<128xi32, #tpu.memory_space<hbm>>) target(%dma_start3A_221 : memref<128xi32, #tpu.memory_space<vmem>>) target_semaphore(%run_scoped3A_214 : memref<!tpu.dma_semaphore, #tpu.memory_space<semaphore_mem>>)
      %dma_wait3A_223 = arith.constant 0 : i32
      %dma_wait3A_224 = tpu.memref_slice %arg7[%run_scoped3A_21, %dma_wait3A_223] : memref<81x128xi32, #tpu.memory_space<vmem>> -> memref<1x128xi32, #tpu.memory_space<vmem>>
      %dma_wait3A_225 = tpu.memref_squeeze %dma_wait3A_224 : memref<1x128xi32, #tpu.memory_space<vmem>> -> memref<128xi32, #tpu.memory_space<vmem>>
      %dma_wait3A_226 = tpu.memref_slice %arg5[%add3A_20] : memref<10240xi32, #tpu.memory_space<hbm>> -> memref<128xi32, #tpu.memory_space<hbm>>
      %dma_wait3A_227 = arith.constant 0 : i32
      %dma_wait3A_228 = tpu.memref_slice %arg7[%run_scoped3A_21, %dma_wait3A_227] : memref<81x128xi32, #tpu.memory_space<vmem>> -> memref<1x128xi32, #tpu.memory_space<vmem>>
      %dma_wait3A_229 = tpu.memref_squeeze %dma_wait3A_228 : memref<1x128xi32, #tpu.memory_space<vmem>> -> memref<128xi32, #tpu.memory_space<vmem>>
      %dma_wait3A_230 = tpu.memref_slice %arg5[%add3A_20] : memref<10240xi32, #tpu.memory_space<hbm>> -> memref<128xi32, #tpu.memory_space<hbm>>
      tpu.wait_dma2 semaphore(%run_scoped3A_214 : memref<!tpu.dma_semaphore, #tpu.memory_space<semaphore_mem>>) src(%dma_wait3A_230 : memref<128xi32, #tpu.memory_space<hbm>>) dst(%dma_wait3A_229 : memref<128xi32, #tpu.memory_space<vmem>>)
      tpu.yield
    }) : () -> ()
    %dma_start3A_22 = arith.constant 0 : i32
    %dma_start3A_23 = arith.constant 0 : i32
    %dma_start3A_24 = tpu.memref_slice %arg7[%dma_start3A_22, %dma_start3A_23] : memref<81x128xi32, #tpu.memory_space<vmem>> -> memref<1x128xi32, #tpu.memory_space<vmem>>
    %dma_start3A_25 = tpu.memref_squeeze %dma_start3A_24 : memref<1x128xi32, #tpu.memory_space<vmem>> -> memref<128xi32, #tpu.memory_space<vmem>>
    %dma_start3A_26 = arith.constant 0 : i32
    %dma_start3A_27 = arith.constant 0 : i32
    %dma_start3A_28 = tpu.memref_slice %arg9[%dma_start3A_26, %dma_start3A_27] : memref<10240x128xf32, #tpu.memory_space<vmem_shared>> -> memref<10240x128xf32, #tpu.memory_space<vmem_shared>>
    tpu.enqueue_indirect_dma source(%arg8 : memref<128x128xf32, #tpu.memory_space<vmem>>) target(%dma_start3A_28 : memref<10240x128xf32, #tpu.memory_space<vmem_shared>>) offsets(%dma_start3A_25 : memref<128xi32, #tpu.memory_space<vmem>>) semaphore(%arg10 : memref<!tpu.dma_semaphore, #tpu.memory_space<semaphore_mem>>)
    %dma_wait3A_29 = arith.constant 0 : i32
    %dma_wait3A_30 = arith.constant 0 : i32
    %dma_wait3A_31 = tpu.memref_slice %arg7[%dma_wait3A_29, %dma_wait3A_30] : memref<81x128xi32, #tpu.memory_space<vmem>> -> memref<1x128xi32, #tpu.memory_space<vmem>>
    %dma_wait3A_32 = tpu.memref_squeeze %dma_wait3A_31 : memref<1x128xi32, #tpu.memory_space<vmem>> -> memref<128xi32, #tpu.memory_space<vmem>>
    %dma_wait3A_33 = arith.constant 0 : i32
    %dma_wait3A_34 = arith.constant 0 : i32
    %dma_wait3A_35 = tpu.memref_slice %arg9[%dma_wait3A_33, %dma_wait3A_34] : memref<10240x128xf32, #tpu.memory_space<vmem_shared>> -> memref<10240x128xf32, #tpu.memory_space<vmem_shared>>
    tpu.wait_indirect_dma semaphore(%arg10 : memref<!tpu.dma_semaphore, #tpu.memory_space<semaphore_mem>>) src(%arg8 : memref<128x128xf32, #tpu.memory_space<vmem>>) dst(%dma_wait3A_35 : memref<10240x128xf32, #tpu.memory_space<vmem_shared>>)
    %mul3A_36 = arith.constant 640 : i32
    %mul3A_37 = arith.muli %arg1, %mul3A_36 : i32
    %add3A_38 = arith.constant 256 : i32
    %add3A_39 = arith.addi %mul3A_37, %add3A_38 : i32
    %run_scoped3A_40 = arith.constant 0 : i32
    "tpu.region"() ({
      %run_scoped3A_214 = tpu.sem_alloc : memref<!tpu.dma_semaphore, #tpu.memory_space<semaphore_mem>>
      %dma_start3A_215 = arith.constant 0 : i32
      %dma_start3A_216 = tpu.memref_slice %arg7[%run_scoped3A_40, %dma_start3A_215] : memref<81x128xi32, #tpu.memory_space<vmem>> -> memref<1x128xi32, #tpu.memory_space<vmem>>
      %dma_start3A_217 = tpu.memref_squeeze %dma_start3A_216 : memref<1x128xi32, #tpu.memory_space<vmem>> -> memref<128xi32, #tpu.memory_space<vmem>>
      %dma_start3A_218 = tpu.memref_slice %arg5[%add3A_39] : memref<10240xi32, #tpu.memory_space<hbm>> -> memref<128xi32, #tpu.memory_space<hbm>>
      %dma_start3A_219 = arith.constant 0 : i32
      %dma_start3A_220 = tpu.memref_slice %arg7[%run_scoped3A_40, %dma_start3A_219] : memref<81x128xi32, #tpu.memory_space<vmem>> -> memref<1x128xi32, #tpu.memory_space<vmem>>
      %dma_start3A_221 = tpu.memref_squeeze %dma_start3A_220 : memref<1x128xi32, #tpu.memory_space<vmem>> -> memref<128xi32, #tpu.memory_space<vmem>>
      %dma_start3A_222 = tpu.memref_slice %arg5[%add3A_39] : memref<10240xi32, #tpu.memory_space<hbm>> -> memref<128xi32, #tpu.memory_space<hbm>>
      tpu.enqueue_dma source(%dma_start3A_222 : memref<128xi32, #tpu.memory_space<hbm>>) target(%dma_start3A_221 : memref<128xi32, #tpu.memory_space<vmem>>) target_semaphore(%run_scoped3A_214 : memref<!tpu.dma_semaphore, #tpu.memory_space<semaphore_mem>>)
      %dma_wait3A_223 = arith.constant 0 : i32
      %dma_wait3A_224 = tpu.memref_slice %arg7[%run_scoped3A_40, %dma_wait3A_223] : memref<81x128xi32, #tpu.memory_space<vmem>> -> memref<1x128xi32, #tpu.memory_space<vmem>>
      %dma_wait3A_225 = tpu.memref_squeeze %dma_wait3A_224 : memref<1x128xi32, #tpu.memory_space<vmem>> -> memref<128xi32, #tpu.memory_space<vmem>>
      %dma_wait3A_226 = tpu.memref_slice %arg5[%add3A_39] : memref<10240xi32, #tpu.memory_space<hbm>> -> memref<128xi32, #tpu.memory_space<hbm>>
      %dma_wait3A_227 = arith.constant 0 : i32
      %dma_wait3A_228 = tpu.memref_slice %arg7[%run_scoped3A_40, %dma_wait3A_227] : memref<81x128xi32, #tpu.memory_space<vmem>> -> memref<1x128xi32, #tpu.memory_space<vmem>>
      %dma_wait3A_229 = tpu.memref_squeeze %dma_wait3A_228 : memref<1x128xi32, #tpu.memory_space<vmem>> -> memref<128xi32, #tpu.memory_space<vmem>>
      %dma_wait3A_230 = tpu.memref_slice %arg5[%add3A_39] : memref<10240xi32, #tpu.memory_space<hbm>> -> memref<128xi32, #tpu.memory_space<hbm>>
      tpu.wait_dma2 semaphore(%run_scoped3A_214 : memref<!tpu.dma_semaphore, #tpu.memory_space<semaphore_mem>>) src(%dma_wait3A_230 : memref<128xi32, #tpu.memory_space<hbm>>) dst(%dma_wait3A_229 : memref<128xi32, #tpu.memory_space<vmem>>)
      tpu.yield
    }) : () -> ()
    %dma_start3A_41 = arith.constant 0 : i32
    %dma_start3A_42 = arith.constant 0 : i32
    %dma_start3A_43 = tpu.memref_slice %arg7[%dma_start3A_41, %dma_start3A_42] : memref<81x128xi32, #tpu.memory_space<vmem>> -> memref<1x128xi32, #tpu.memory_space<vmem>>
    %dma_start3A_44 = tpu.memref_squeeze %dma_start3A_43 : memref<1x128xi32, #tpu.memory_space<vmem>> -> memref<128xi32, #tpu.memory_space<vmem>>
    %dma_start3A_45 = arith.constant 0 : i32
    %dma_start3A_46 = arith.constant 0 : i32
    %dma_start3A_47 = tpu.memref_slice %arg9[%dma_start3A_45, %dma_start3A_46] : memref<10240x128xf32, #tpu.memory_space<vmem_shared>> -> memref<10240x128xf32, #tpu.memory_space<vmem_shared>>
    tpu.enqueue_indirect_dma source(%arg8 : memref<128x128xf32, #tpu.memory_space<vmem>>) target(%dma_start3A_47 : memref<10240x128xf32, #tpu.memory_space<vmem_shared>>) offsets(%dma_start3A_44 : memref<128xi32, #tpu.memory_space<vmem>>) semaphore(%arg10 : memref<!tpu.dma_semaphore, #tpu.memory_space<semaphore_mem>>)
    %dma_wait3A_48 = arith.constant 0 : i32
    %dma_wait3A_49 = arith.constant 0 : i32
    %dma_wait3A_50 = tpu.memref_slice %arg7[%dma_wait3A_48, %dma_wait3A_49] : memref<81x128xi32, #tpu.memory_space<vmem>> -> memref<1x128xi32, #tpu.memory_space<vmem>>
    %dma_wait3A_51 = tpu.memref_squeeze %dma_wait3A_50 : memref<1x128xi32, #tpu.memory_space<vmem>> -> memref<128xi32, #tpu.memory_space<vmem>>
    %dma_wait3A_52 = arith.constant 0 : i32
    %dma_wait3A_53 = arith.constant 0 : i32
    %dma_wait3A_54 = tpu.memref_slice %arg9[%dma_wait3A_52, %dma_wait3A_53] : memref<10240x128xf32, #tpu.memory_space<vmem_shared>> -> memref<10240x128xf32, #tpu.memory_space<vmem_shared>>
    tpu.wait_indirect_dma semaphore(%arg10 : memref<!tpu.dma_semaphore, #tpu.memory_space<semaphore_mem>>) src(%arg8 : memref<128x128xf32, #tpu.memory_space<vmem>>) dst(%dma_wait3A_54 : memref<10240x128xf32, #tpu.memory_space<vmem_shared>>)
    %mul3A_55 = arith.constant 640 : i32
    %mul3A_56 = arith.muli %arg1, %mul3A_55 : i32
    %add3A_57 = arith.constant 384 : i32
    %add3A_58 = arith.addi %mul3A_56, %add3A_57 : i32
    %run_scoped3A_59 = arith.constant 0 : i32
    "tpu.region"() ({
      %run_scoped3A_214 = tpu.sem_alloc : memref<!tpu.dma_semaphore, #tpu.memory_space<semaphore_mem>>
      %dma_start3A_215 = arith.constant 0 : i32
      %dma_start3A_216 = tpu.memref_slice %arg7[%run_scoped3A_59, %dma_start3A_215] : memref<81x128xi32, #tpu.memory_space<vmem>> -> memref<1x128xi32, #tpu.memory_space<vmem>>
      %dma_start3A_217 = tpu.memref_squeeze %dma_start3A_216 : memref<1x128xi32, #tpu.memory_space<vmem>> -> memref<128xi32, #tpu.memory_space<vmem>>
      %dma_start3A_218 = tpu.memref_slice %arg5[%add3A_58] : memref<10240xi32, #tpu.memory_space<hbm>> -> memref<128xi32, #tpu.memory_space<hbm>>
      %dma_start3A_219 = arith.constant 0 : i32
      %dma_start3A_220 = tpu.memref_slice %arg7[%run_scoped3A_59, %dma_start3A_219] : memref<81x128xi32, #tpu.memory_space<vmem>> -> memref<1x128xi32, #tpu.memory_space<vmem>>
      %dma_start3A_221 = tpu.memref_squeeze %dma_start3A_220 : memref<1x128xi32, #tpu.memory_space<vmem>> -> memref<128xi32, #tpu.memory_space<vmem>>
      %dma_start3A_222 = tpu.memref_slice %arg5[%add3A_58] : memref<10240xi32, #tpu.memory_space<hbm>> -> memref<128xi32, #tpu.memory_space<hbm>>
      tpu.enqueue_dma source(%dma_start3A_222 : memref<128xi32, #tpu.memory_space<hbm>>) target(%dma_start3A_221 : memref<128xi32, #tpu.memory_space<vmem>>) target_semaphore(%run_scoped3A_214 : memref<!tpu.dma_semaphore, #tpu.memory_space<semaphore_mem>>)
      %dma_wait3A_223 = arith.constant 0 : i32
      %dma_wait3A_224 = tpu.memref_slice %arg7[%run_scoped3A_59, %dma_wait3A_223] : memref<81x128xi32, #tpu.memory_space<vmem>> -> memref<1x128xi32, #tpu.memory_space<vmem>>
      %dma_wait3A_225 = tpu.memref_squeeze %dma_wait3A_224 : memref<1x128xi32, #tpu.memory_space<vmem>> -> memref<128xi32, #tpu.memory_space<vmem>>
      %dma_wait3A_226 = tpu.memref_slice %arg5[%add3A_58] : memref<10240xi32, #tpu.memory_space<hbm>> -> memref<128xi32, #tpu.memory_space<hbm>>
      %dma_wait3A_227 = arith.constant 0 : i32
      %dma_wait3A_228 = tpu.memref_slice %arg7[%run_scoped3A_59, %dma_wait3A_227] : memref<81x128xi32, #tpu.memory_space<vmem>> -> memref<1x128xi32, #tpu.memory_space<vmem>>
      %dma_wait3A_229 = tpu.memref_squeeze %dma_wait3A_228 : memref<1x128xi32, #tpu.memory_space<vmem>> -> memref<128xi32, #tpu.memory_space<vmem>>
      %dma_wait3A_230 = tpu.memref_slice %arg5[%add3A_58] : memref<10240xi32, #tpu.memory_space<hbm>> -> memref<128xi32, #tpu.memory_space<hbm>>
      tpu.wait_dma2 semaphore(%run_scoped3A_214 : memref<!tpu.dma_semaphore, #tpu.memory_space<semaphore_mem>>) src(%dma_wait3A_230 : memref<128xi32, #tpu.memory_space<hbm>>) dst(%dma_wait3A_229 : memref<128xi32, #tpu.memory_space<vmem>>)
      tpu.yield
    }) : () -> ()
    %dma_start3A_60 = arith.constant 0 : i32
    %dma_start3A_61 = arith.constant 0 : i32
    %dma_start3A_62 = tpu.memref_slice %arg7[%dma_start3A_60, %dma_start3A_61] : memref<81x128xi32, #tpu.memory_space<vmem>> -> memref<1x128xi32, #tpu.memory_space<vmem>>
    %dma_start3A_63 = tpu.memref_squeeze %dma_start3A_62 : memref<1x128xi32, #tpu.memory_space<vmem>> -> memref<128xi32, #tpu.memory_space<vmem>>
    %dma_start3A_64 = arith.constant 0 : i32
    %dma_start3A_65 = arith.constant 0 : i32
    %dma_start3A_66 = tpu.memref_slice %arg9[%dma_start3A_64, %dma_start3A_65] : memref<10240x128xf32, #tpu.memory_space<vmem_shared>> -> memref<10240x128xf32, #tpu.memory_space<vmem_shared>>
    tpu.enqueue_indirect_dma source(%arg8 : memref<128x128xf32, #tpu.memory_space<vmem>>) target(%dma_start3A_66 : memref<10240x128xf32, #tpu.memory_space<vmem_shared>>) offsets(%dma_start3A_63 : memref<128xi32, #tpu.memory_space<vmem>>) semaphore(%arg10 : memref<!tpu.dma_semaphore, #tpu.memory_space<semaphore_mem>>)
    %dma_wait3A_67 = arith.constant 0 : i32
    %dma_wait3A_68 = arith.constant 0 : i32
    %dma_wait3A_69 = tpu.memref_slice %arg7[%dma_wait3A_67, %dma_wait3A_68] : memref<81x128xi32, #tpu.memory_space<vmem>> -> memref<1x128xi32, #tpu.memory_space<vmem>>
    %dma_wait3A_70 = tpu.memref_squeeze %dma_wait3A_69 : memref<1x128xi32, #tpu.memory_space<vmem>> -> memref<128xi32, #tpu.memory_space<vmem>>
    %dma_wait3A_71 = arith.constant 0 : i32
    %dma_wait3A_72 = arith.constant 0 : i32
    %dma_wait3A_73 = tpu.memref_slice %arg9[%dma_wait3A_71, %dma_wait3A_72] : memref<10240x128xf32, #tpu.memory_space<vmem_shared>> -> memref<10240x128xf32, #tpu.memory_space<vmem_shared>>
    tpu.wait_indirect_dma semaphore(%arg10 : memref<!tpu.dma_semaphore, #tpu.memory_space<semaphore_mem>>) src(%arg8 : memref<128x128xf32, #tpu.memory_space<vmem>>) dst(%dma_wait3A_73 : memref<10240x128xf32, #tpu.memory_space<vmem_shared>>)
    %mul3A_74 = arith.constant 640 : i32
    %mul3A_75 = arith.muli %arg1, %mul3A_74 : i32
    %add3A_76 = arith.constant 512 : i32
    %add3A_77 = arith.addi %mul3A_75, %add3A_76 : i32
    %run_scoped3A_78 = arith.constant 0 : i32
    "tpu.region"() ({
      %run_scoped3A_214 = tpu.sem_alloc : memref<!tpu.dma_semaphore, #tpu.memory_space<semaphore_mem>>
      %dma_start3A_215 = arith.constant 0 : i32
      %dma_start3A_216 = tpu.memref_slice %arg7[%run_scoped3A_78, %dma_start3A_215] : memref<81x128xi32, #tpu.memory_space<vmem>> -> memref<1x128xi32, #tpu.memory_space<vmem>>
      %dma_start3A_217 = tpu.memref_squeeze %dma_start3A_216 : memref<1x128xi32, #tpu.memory_space<vmem>> -> memref<128xi32, #tpu.memory_space<vmem>>
      %dma_start3A_218 = tpu.memref_slice %arg5[%add3A_77] : memref<10240xi32, #tpu.memory_space<hbm>> -> memref<128xi32, #tpu.memory_space<hbm>>
      %dma_start3A_219 = arith.constant 0 : i32
      %dma_start3A_220 = tpu.memref_slice %arg7[%run_scoped3A_78, %dma_start3A_219] : memref<81x128xi32, #tpu.memory_space<vmem>> -> memref<1x128xi32, #tpu.memory_space<vmem>>
      %dma_start3A_221 = tpu.memref_squeeze %dma_start3A_220 : memref<1x128xi32, #tpu.memory_space<vmem>> -> memref<128xi32, #tpu.memory_space<vmem>>
      %dma_start3A_222 = tpu.memref_slice %arg5[%add3A_77] : memref<10240xi32, #tpu.memory_space<hbm>> -> memref<128xi32, #tpu.memory_space<hbm>>
      tpu.enqueue_dma source(%dma_start3A_222 : memref<128xi32, #tpu.memory_space<hbm>>) target(%dma_start3A_221 : memref<128xi32, #tpu.memory_space<vmem>>) target_semaphore(%run_scoped3A_214 : memref<!tpu.dma_semaphore, #tpu.memory_space<semaphore_mem>>)
      %dma_wait3A_223 = arith.constant 0 : i32
      %dma_wait3A_224 = tpu.memref_slice %arg7[%run_scoped3A_78, %dma_wait3A_223] : memref<81x128xi32, #tpu.memory_space<vmem>> -> memref<1x128xi32, #tpu.memory_space<vmem>>
      %dma_wait3A_225 = tpu.memref_squeeze %dma_wait3A_224 : memref<1x128xi32, #tpu.memory_space<vmem>> -> memref<128xi32, #tpu.memory_space<vmem>>
      %dma_wait3A_226 = tpu.memref_slice %arg5[%add3A_77] : memref<10240xi32, #tpu.memory_space<hbm>> -> memref<128xi32, #tpu.memory_space<hbm>>
      %dma_wait3A_227 = arith.constant 0 : i32
      %dma_wait3A_228 = tpu.memref_slice %arg7[%run_scoped3A_78, %dma_wait3A_227] : memref<81x128xi32, #tpu.memory_space<vmem>> -> memref<1x128xi32, #tpu.memory_space<vmem>>
      %dma_wait3A_229 = tpu.memref_squeeze %dma_wait3A_228 : memref<1x128xi32, #tpu.memory_space<vmem>> -> memref<128xi32, #tpu.memory_space<vmem>>
      %dma_wait3A_230 = tpu.memref_slice %arg5[%add3A_77] : memref<10240xi32, #tpu.memory_space<hbm>> -> memref<128xi32, #tpu.memory_space<hbm>>
      tpu.wait_dma2 semaphore(%run_scoped3A_214 : memref<!tpu.dma_semaphore, #tpu.memory_space<semaphore_mem>>) src(%dma_wait3A_230 : memref<128xi32, #tpu.memory_space<hbm>>) dst(%dma_wait3A_229 : memref<128xi32, #tpu.memory_space<vmem>>)
      tpu.yield
    }) : () -> ()
    %dma_start3A_79 = arith.constant 0 : i32
    %dma_start3A_80 = arith.constant 0 : i32
    %dma_start3A_81 = tpu.memref_slice %arg7[%dma_start3A_79, %dma_start3A_80] : memref<81x128xi32, #tpu.memory_space<vmem>> -> memref<1x128xi32, #tpu.memory_space<vmem>>
    %dma_start3A_82 = tpu.memref_squeeze %dma_start3A_81 : memref<1x128xi32, #tpu.memory_space<vmem>> -> memref<128xi32, #tpu.memory_space<vmem>>
    %dma_start3A_83 = arith.constant 0 : i32
    %dma_start3A_84 = arith.constant 0 : i32
    %dma_start3A_85 = tpu.memref_slice %arg9[%dma_start3A_83, %dma_start3A_84] : memref<10240x128xf32, #tpu.memory_space<vmem_shared>> -> memref<10240x128xf32, #tpu.memory_space<vmem_shared>>
    tpu.enqueue_indirect_dma source(%arg8 : memref<128x128xf32, #tpu.memory_space<vmem>>) target(%dma_start3A_85 : memref<10240x128xf32, #tpu.memory_space<vmem_shared>>) offsets(%dma_start3A_82 : memref<128xi32, #tpu.memory_space<vmem>>) semaphore(%arg10 : memref<!tpu.dma_semaphore, #tpu.memory_space<semaphore_mem>>)
    %dma_wait3A_86 = arith.constant 0 : i32
    %dma_wait3A_87 = arith.constant 0 : i32
    %dma_wait3A_88 = tpu.memref_slice %arg7[%dma_wait3A_86, %dma_wait3A_87] : memref<81x128xi32, #tpu.memory_space<vmem>> -> memref<1x128xi32, #tpu.memory_space<vmem>>
    %dma_wait3A_89 = tpu.memref_squeeze %dma_wait3A_88 : memref<1x128xi32, #tpu.memory_space<vmem>> -> memref<128xi32, #tpu.memory_space<vmem>>
    %dma_wait3A_90 = arith.constant 0 : i32
    %dma_wait3A_91 = arith.constant 0 : i32
    %dma_wait3A_92 = tpu.memref_slice %arg9[%dma_wait3A_90, %dma_wait3A_91] : memref<10240x128xf32, #tpu.memory_space<vmem_shared>> -> memref<10240x128xf32, #tpu.memory_space<vmem_shared>>
    tpu.wait_indirect_dma semaphore(%arg10 : memref<!tpu.dma_semaphore, #tpu.memory_space<semaphore_mem>>) src(%arg8 : memref<128x128xf32, #tpu.memory_space<vmem>>) dst(%dma_wait3A_92 : memref<10240x128xf32, #tpu.memory_space<vmem_shared>>)
    "tpu.region"() ({
      %run_scoped3A_214 = tpu.sem_alloc : memref<!tpu.dma_semaphore, #tpu.memory_space<semaphore_mem>>
      %dma_start3A_215 = arith.constant 0 : i32
      %dma_start3A_216 = arith.constant 0 : i32
      %dma_start3A_217 = tpu.memref_slice %arg2[%add3A, %dma_start3A_215, %dma_start3A_216] : memref<32x81x128xi32, #tpu.memory_space<hbm>> -> memref<1x81x128xi32, #tpu.memory_space<hbm>>
      %dma_start3A_218 = tpu.memref_squeeze %dma_start3A_217 : memref<1x81x128xi32, #tpu.memory_space<hbm>> -> memref<81x128xi32, #tpu.memory_space<hbm>>
      %dma_start3A_219 = arith.constant 0 : i32
      %dma_start3A_220 = arith.constant 0 : i32
      %dma_start3A_221 = tpu.memref_slice %arg2[%add3A, %dma_start3A_219, %dma_start3A_220] : memref<32x81x128xi32, #tpu.memory_space<hbm>> -> memref<1x81x128xi32, #tpu.memory_space<hbm>>
      %dma_start3A_222 = tpu.memref_squeeze %dma_start3A_221 : memref<1x81x128xi32, #tpu.memory_space<hbm>> -> memref<81x128xi32, #tpu.memory_space<hbm>>
      tpu.enqueue_dma source(%dma_start3A_222 : memref<81x128xi32, #tpu.memory_space<hbm>>) target(%arg7 : memref<81x128xi32, #tpu.memory_space<vmem>>) target_semaphore(%run_scoped3A_214 : memref<!tpu.dma_semaphore, #tpu.memory_space<semaphore_mem>>)
      %dma_wait3A_223 = arith.constant 0 : i32
      %dma_wait3A_224 = arith.constant 0 : i32
      %dma_wait3A_225 = tpu.memref_slice %arg2[%add3A, %dma_wait3A_223, %dma_wait3A_224] : memref<32x81x128xi32, #tpu.memory_space<hbm>> -> memref<1x81x128xi32, #tpu.memory_space<hbm>>
      %dma_wait3A_226 = tpu.memref_squeeze %dma_wait3A_225 : memref<1x81x128xi32, #tpu.memory_space<hbm>> -> memref<81x128xi32, #tpu.memory_space<hbm>>
      %dma_wait3A_227 = arith.constant 0 : i32
      %dma_wait3A_228 = arith.constant 0 : i32
      %dma_wait3A_229 = tpu.memref_slice %arg2[%add3A, %dma_wait3A_227, %dma_wait3A_228] : memref<32x81x128xi32, #tpu.memory_space<hbm>> -> memref<1x81x128xi32, #tpu.memory_space<hbm>>
      %dma_wait3A_230 = tpu.memref_squeeze %dma_wait3A_229 : memref<1x81x128xi32, #tpu.memory_space<hbm>> -> memref<81x128xi32, #tpu.memory_space<hbm>>
      tpu.wait_dma2 semaphore(%run_scoped3A_214 : memref<!tpu.dma_semaphore, #tpu.memory_space<semaphore_mem>>) src(%dma_wait3A_230 : memref<81x128xi32, #tpu.memory_space<hbm>>) dst(%arg7 : memref<81x128xi32, #tpu.memory_space<vmem>>)
      tpu.yield
    }) : () -> ()
    "tpu.region"() ({
      %run_scoped3A_214 = tpu.sem_alloc : memref<!tpu.dma_semaphore, #tpu.memory_space<semaphore_mem>>
      tpu.enqueue_dma source(%arg3 : memref<128x128xf32, #tpu.memory_space<hbm>>) target(%arg8 : memref<128x128xf32, #tpu.memory_space<vmem>>) target_semaphore(%run_scoped3A_214 : memref<!tpu.dma_semaphore, #tpu.memory_space<semaphore_mem>>)
      tpu.wait_dma2 semaphore(%run_scoped3A_214 : memref<!tpu.dma_semaphore, #tpu.memory_space<semaphore_mem>>) src(%arg3 : memref<128x128xf32, #tpu.memory_space<hbm>>) dst(%arg8 : memref<128x128xf32, #tpu.memory_space<vmem>>)
      tpu.yield
    }) : () -> ()
    %barrier3A = arith.constant 0 : index
    tpu.barrier barrier_id(%barrier3A)
    %scan3A = arith.constant 0 : i32
    %scan3A_93 = arith.constant 0 : i32
    %scan3A_94 = arith.constant 81 : i32
    %scan3A_95 = arith.addi %scan3A_93, %scan3A_94 : i32
    %scan3A_96 = arith.constant 1 : i32
    scf.for %scan3A_214 = %scan3A_93 to %scan3A_95 step %scan3A_96  : i32 {
      "tpu.region"() ({
        %run_scoped3A_215 = tpu.sem_alloc : memref<!tpu.dma_semaphore, #tpu.memory_space<semaphore_mem>>
        %dma_start3A_216 = arith.constant 0 : i32
        %dma_start3A_217 = tpu.memref_slice %arg7[%scan3A_214, %dma_start3A_216] : memref<81x128xi32, #tpu.memory_space<vmem>> -> memref<1x128xi32, #tpu.memory_space<vmem>>
        %dma_start3A_218 = tpu.memref_squeeze %dma_start3A_217 : memref<1x128xi32, #tpu.memory_space<vmem>> -> memref<128xi32, #tpu.memory_space<vmem>>
        %dma_start3A_219 = arith.constant 0 : i32
        %dma_start3A_220 = arith.constant 0 : i32
        %dma_start3A_221 = tpu.memref_slice %arg9[%dma_start3A_219, %dma_start3A_220] : memref<10240x128xf32, #tpu.memory_space<vmem_shared>> -> memref<10240x128xf32, #tpu.memory_space<vmem_shared>>
        tpu.enqueue_indirect_dma source(%arg8 : memref<128x128xf32, #tpu.memory_space<vmem>>) target(%dma_start3A_221 : memref<10240x128xf32, #tpu.memory_space<vmem_shared>>) offsets(%dma_start3A_218 : memref<128xi32, #tpu.memory_space<vmem>>) semaphore(%run_scoped3A_215 : memref<!tpu.dma_semaphore, #tpu.memory_space<semaphore_mem>>) {add = true}
        %dma_wait3A_222 = arith.constant 0 : i32
        %dma_wait3A_223 = tpu.memref_slice %arg7[%scan3A_214, %dma_wait3A_222] : memref<81x128xi32, #tpu.memory_space<vmem>> -> memref<1x128xi32, #tpu.memory_space<vmem>>
        %dma_wait3A_224 = tpu.memref_squeeze %dma_wait3A_223 : memref<1x128xi32, #tpu.memory_space<vmem>> -> memref<128xi32, #tpu.memory_space<vmem>>
        %dma_wait3A_225 = arith.constant 0 : i32
        %dma_wait3A_226 = arith.constant 0 : i32
        %dma_wait3A_227 = tpu.memref_slice %arg9[%dma_wait3A_225, %dma_wait3A_226] : memref<10240x128xf32, #tpu.memory_space<vmem_shared>> -> memref<10240x128xf32, #tpu.memory_space<vmem_shared>>
        tpu.wait_indirect_dma semaphore(%run_scoped3A_215 : memref<!tpu.dma_semaphore, #tpu.memory_space<semaphore_mem>>) src(%arg8 : memref<128x128xf32, #tpu.memory_space<vmem>>) dst(%dma_wait3A_227 : memref<10240x128xf32, #tpu.memory_space<vmem_shared>>)
        tpu.yield
      }) : () -> ()
    }
    %scan3A_97 = arith.constant 81 : i32
    %barrier3A_98 = arith.constant 0 : index
    tpu.barrier barrier_id(%barrier3A_98)
    %mul3A_99 = arith.constant 640 : i32
    %mul3A_100 = arith.muli %arg1, %mul3A_99 : i32
    %add3A_101 = arith.constant 0 : i32
    %add3A_102 = arith.addi %mul3A_100, %add3A_101 : i32
    %run_scoped3A_103 = arith.constant 0 : i32
    "tpu.region"() ({
      %run_scoped3A_214 = tpu.sem_alloc : memref<!tpu.dma_semaphore, #tpu.memory_space<semaphore_mem>>
      %dma_start3A_215 = arith.constant 0 : i32
      %dma_start3A_216 = tpu.memref_slice %arg7[%run_scoped3A_103, %dma_start3A_215] : memref<81x128xi32, #tpu.memory_space<vmem>> -> memref<1x128xi32, #tpu.memory_space<vmem>>
      %dma_start3A_217 = tpu.memref_squeeze %dma_start3A_216 : memref<1x128xi32, #tpu.memory_space<vmem>> -> memref<128xi32, #tpu.memory_space<vmem>>
      %dma_start3A_218 = tpu.memref_slice %arg5[%add3A_102] : memref<10240xi32, #tpu.memory_space<hbm>> -> memref<128xi32, #tpu.memory_space<hbm>>
      %dma_start3A_219 = arith.constant 0 : i32
      %dma_start3A_220 = tpu.memref_slice %arg7[%run_scoped3A_103, %dma_start3A_219] : memref<81x128xi32, #tpu.memory_space<vmem>> -> memref<1x128xi32, #tpu.memory_space<vmem>>
      %dma_start3A_221 = tpu.memref_squeeze %dma_start3A_220 : memref<1x128xi32, #tpu.memory_space<vmem>> -> memref<128xi32, #tpu.memory_space<vmem>>
      %dma_start3A_222 = tpu.memref_slice %arg5[%add3A_102] : memref<10240xi32, #tpu.memory_space<hbm>> -> memref<128xi32, #tpu.memory_space<hbm>>
      tpu.enqueue_dma source(%dma_start3A_222 : memref<128xi32, #tpu.memory_space<hbm>>) target(%dma_start3A_221 : memref<128xi32, #tpu.memory_space<vmem>>) target_semaphore(%run_scoped3A_214 : memref<!tpu.dma_semaphore, #tpu.memory_space<semaphore_mem>>)
      %dma_wait3A_223 = arith.constant 0 : i32
      %dma_wait3A_224 = tpu.memref_slice %arg7[%run_scoped3A_103, %dma_wait3A_223] : memref<81x128xi32, #tpu.memory_space<vmem>> -> memref<1x128xi32, #tpu.memory_space<vmem>>
      %dma_wait3A_225 = tpu.memref_squeeze %dma_wait3A_224 : memref<1x128xi32, #tpu.memory_space<vmem>> -> memref<128xi32, #tpu.memory_space<vmem>>
      %dma_wait3A_226 = tpu.memref_slice %arg5[%add3A_102] : memref<10240xi32, #tpu.memory_space<hbm>> -> memref<128xi32, #tpu.memory_space<hbm>>
      %dma_wait3A_227 = arith.constant 0 : i32
      %dma_wait3A_228 = tpu.memref_slice %arg7[%run_scoped3A_103, %dma_wait3A_227] : memref<81x128xi32, #tpu.memory_space<vmem>> -> memref<1x128xi32, #tpu.memory_space<vmem>>
      %dma_wait3A_229 = tpu.memref_squeeze %dma_wait3A_228 : memref<1x128xi32, #tpu.memory_space<vmem>> -> memref<128xi32, #tpu.memory_space<vmem>>
      %dma_wait3A_230 = tpu.memref_slice %arg5[%add3A_102] : memref<10240xi32, #tpu.memory_space<hbm>> -> memref<128xi32, #tpu.memory_space<hbm>>
      tpu.wait_dma2 semaphore(%run_scoped3A_214 : memref<!tpu.dma_semaphore, #tpu.memory_space<semaphore_mem>>) src(%dma_wait3A_230 : memref<128xi32, #tpu.memory_space<hbm>>) dst(%dma_wait3A_229 : memref<128xi32, #tpu.memory_space<vmem>>)
      tpu.yield
    }) : () -> ()
    %dma_start3A_104 = arith.constant 0 : i32
    %dma_start3A_105 = arith.constant 0 : i32
    %dma_start3A_106 = tpu.memref_slice %arg7[%dma_start3A_104, %dma_start3A_105] : memref<81x128xi32, #tpu.memory_space<vmem>> -> memref<1x128xi32, #tpu.memory_space<vmem>>
    %dma_start3A_107 = tpu.memref_squeeze %dma_start3A_106 : memref<1x128xi32, #tpu.memory_space<vmem>> -> memref<128xi32, #tpu.memory_space<vmem>>
    %dma_start3A_108 = arith.constant 0 : i32
    %dma_start3A_109 = arith.constant 0 : i32
    %dma_start3A_110 = tpu.memref_slice %arg9[%dma_start3A_108, %dma_start3A_109] : memref<10240x128xf32, #tpu.memory_space<vmem_shared>> -> memref<10240x128xf32, #tpu.memory_space<vmem_shared>>
    tpu.enqueue_indirect_dma source(%dma_start3A_110 : memref<10240x128xf32, #tpu.memory_space<vmem_shared>>) target(%arg8 : memref<128x128xf32, #tpu.memory_space<vmem>>) offsets(%dma_start3A_107 : memref<128xi32, #tpu.memory_space<vmem>>) semaphore(%arg11 : memref<!tpu.dma_semaphore, #tpu.memory_space<semaphore_mem>>)
    %dma_wait3A_111 = arith.constant 0 : i32
    %dma_wait3A_112 = arith.constant 0 : i32
    %dma_wait3A_113 = tpu.memref_slice %arg7[%dma_wait3A_111, %dma_wait3A_112] : memref<81x128xi32, #tpu.memory_space<vmem>> -> memref<1x128xi32, #tpu.memory_space<vmem>>
    %dma_wait3A_114 = tpu.memref_squeeze %dma_wait3A_113 : memref<1x128xi32, #tpu.memory_space<vmem>> -> memref<128xi32, #tpu.memory_space<vmem>>
    %dma_wait3A_115 = arith.constant 0 : i32
    %dma_wait3A_116 = arith.constant 0 : i32
    %dma_wait3A_117 = tpu.memref_slice %arg9[%dma_wait3A_115, %dma_wait3A_116] : memref<10240x128xf32, #tpu.memory_space<vmem_shared>> -> memref<10240x128xf32, #tpu.memory_space<vmem_shared>>
    tpu.wait_indirect_dma semaphore(%arg11 : memref<!tpu.dma_semaphore, #tpu.memory_space<semaphore_mem>>) src(%dma_wait3A_117 : memref<10240x128xf32, #tpu.memory_space<vmem_shared>>) dst(%arg8 : memref<128x128xf32, #tpu.memory_space<vmem>>)
    %mul3A_118 = arith.constant 640 : i32
    %mul3A_119 = arith.muli %arg1, %mul3A_118 : i32
    %add3A_120 = arith.constant 0 : i32
    %add3A_121 = arith.addi %mul3A_119, %add3A_120 : i32
    "tpu.region"() ({
      %run_scoped3A_214 = tpu.sem_alloc : memref<!tpu.dma_semaphore, #tpu.memory_space<semaphore_mem>>
      %dma_start3A_215 = arith.constant 0 : i32
      %dma_start3A_216 = tpu.memref_slice %arg6[%arg0, %add3A_121, %dma_start3A_215] : memref<2x10240x128xf32, #tpu.memory_space<hbm>> -> memref<1x128x128xf32, #tpu.memory_space<hbm>>
      %dma_start3A_217 = tpu.memref_squeeze %dma_start3A_216 : memref<1x128x128xf32, #tpu.memory_space<hbm>> -> memref<128x128xf32, #tpu.memory_space<hbm>>
      %dma_start3A_218 = arith.constant 0 : i32
      %dma_start3A_219 = tpu.memref_slice %arg6[%arg0, %add3A_121, %dma_start3A_218] : memref<2x10240x128xf32, #tpu.memory_space<hbm>> -> memref<1x128x128xf32, #tpu.memory_space<hbm>>
      %dma_start3A_220 = tpu.memref_squeeze %dma_start3A_219 : memref<1x128x128xf32, #tpu.memory_space<hbm>> -> memref<128x128xf32, #tpu.memory_space<hbm>>
      tpu.enqueue_dma source(%arg8 : memref<128x128xf32, #tpu.memory_space<vmem>>) target(%dma_start3A_220 : memref<128x128xf32, #tpu.memory_space<hbm>>) target_semaphore(%run_scoped3A_214 : memref<!tpu.dma_semaphore, #tpu.memory_space<semaphore_mem>>)
      %dma_wait3A_221 = arith.constant 0 : i32
      %dma_wait3A_222 = tpu.memref_slice %arg6[%arg0, %add3A_121, %dma_wait3A_221] : memref<2x10240x128xf32, #tpu.memory_space<hbm>> -> memref<1x128x128xf32, #tpu.memory_space<hbm>>
      %dma_wait3A_223 = tpu.memref_squeeze %dma_wait3A_222 : memref<1x128x128xf32, #tpu.memory_space<hbm>> -> memref<128x128xf32, #tpu.memory_space<hbm>>
      %dma_wait3A_224 = arith.constant 0 : i32
      %dma_wait3A_225 = tpu.memref_slice %arg6[%arg0, %add3A_121, %dma_wait3A_224] : memref<2x10240x128xf32, #tpu.memory_space<hbm>> -> memref<1x128x128xf32, #tpu.memory_space<hbm>>
      %dma_wait3A_226 = tpu.memref_squeeze %dma_wait3A_225 : memref<1x128x128xf32, #tpu.memory_space<hbm>> -> memref<128x128xf32, #tpu.memory_space<hbm>>
      tpu.wait_dma2 semaphore(%run_scoped3A_214 : memref<!tpu.dma_semaphore, #tpu.memory_space<semaphore_mem>>) src(%arg8 : memref<128x128xf32, #tpu.memory_space<vmem>>) dst(%dma_wait3A_226 : memref<128x128xf32, #tpu.memory_space<hbm>>)
      tpu.yield
    }) : () -> ()
    %mul3A_122 = arith.constant 640 : i32
    %mul3A_123 = arith.muli %arg1, %mul3A_122 : i32
    %add3A_124 = arith.constant 128 : i32
    %add3A_125 = arith.addi %mul3A_123, %add3A_124 : i32
    %run_scoped3A_126 = arith.constant 0 : i32
    "tpu.region"() ({
      %run_scoped3A_214 = tpu.sem_alloc : memref<!tpu.dma_semaphore, #tpu.memory_space<semaphore_mem>>
      %dma_start3A_215 = arith.constant 0 : i32
      %dma_start3A_216 = tpu.memref_slice %arg7[%run_scoped3A_126, %dma_start3A_215] : memref<81x128xi32, #tpu.memory_space<vmem>> -> memref<1x128xi32, #tpu.memory_space<vmem>>
      %dma_start3A_217 = tpu.memref_squeeze %dma_start3A_216 : memref<1x128xi32, #tpu.memory_space<vmem>> -> memref<128xi32, #tpu.memory_space<vmem>>
      %dma_start3A_218 = tpu.memref_slice %arg5[%add3A_125] : memref<10240xi32, #tpu.memory_space<hbm>> -> memref<128xi32, #tpu.memory_space<hbm>>
      %dma_start3A_219 = arith.constant 0 : i32
      %dma_start3A_220 = tpu.memref_slice %arg7[%run_scoped3A_126, %dma_start3A_219] : memref<81x128xi32, #tpu.memory_space<vmem>> -> memref<1x128xi32, #tpu.memory_space<vmem>>
      %dma_start3A_221 = tpu.memref_squeeze %dma_start3A_220 : memref<1x128xi32, #tpu.memory_space<vmem>> -> memref<128xi32, #tpu.memory_space<vmem>>
      %dma_start3A_222 = tpu.memref_slice %arg5[%add3A_125] : memref<10240xi32, #tpu.memory_space<hbm>> -> memref<128xi32, #tpu.memory_space<hbm>>
      tpu.enqueue_dma source(%dma_start3A_222 : memref<128xi32, #tpu.memory_space<hbm>>) target(%dma_start3A_221 : memref<128xi32, #tpu.memory_space<vmem>>) target_semaphore(%run_scoped3A_214 : memref<!tpu.dma_semaphore, #tpu.memory_space<semaphore_mem>>)
      %dma_wait3A_223 = arith.constant 0 : i32
      %dma_wait3A_224 = tpu.memref_slice %arg7[%run_scoped3A_126, %dma_wait3A_223] : memref<81x128xi32, #tpu.memory_space<vmem>> -> memref<1x128xi32, #tpu.memory_space<vmem>>
      %dma_wait3A_225 = tpu.memref_squeeze %dma_wait3A_224 : memref<1x128xi32, #tpu.memory_space<vmem>> -> memref<128xi32, #tpu.memory_space<vmem>>
      %dma_wait3A_226 = tpu.memref_slice %arg5[%add3A_125] : memref<10240xi32, #tpu.memory_space<hbm>> -> memref<128xi32, #tpu.memory_space<hbm>>
      %dma_wait3A_227 = arith.constant 0 : i32
      %dma_wait3A_228 = tpu.memref_slice %arg7[%run_scoped3A_126, %dma_wait3A_227] : memref<81x128xi32, #tpu.memory_space<vmem>> -> memref<1x128xi32, #tpu.memory_space<vmem>>
      %dma_wait3A_229 = tpu.memref_squeeze %dma_wait3A_228 : memref<1x128xi32, #tpu.memory_space<vmem>> -> memref<128xi32, #tpu.memory_space<vmem>>
      %dma_wait3A_230 = tpu.memref_slice %arg5[%add3A_125] : memref<10240xi32, #tpu.memory_space<hbm>> -> memref<128xi32, #tpu.memory_space<hbm>>
      tpu.wait_dma2 semaphore(%run_scoped3A_214 : memref<!tpu.dma_semaphore, #tpu.memory_space<semaphore_mem>>) src(%dma_wait3A_230 : memref<128xi32, #tpu.memory_space<hbm>>) dst(%dma_wait3A_229 : memref<128xi32, #tpu.memory_space<vmem>>)
      tpu.yield
    }) : () -> ()
    %dma_start3A_127 = arith.constant 0 : i32
    %dma_start3A_128 = arith.constant 0 : i32
    %dma_start3A_129 = tpu.memref_slice %arg7[%dma_start3A_127, %dma_start3A_128] : memref<81x128xi32, #tpu.memory_space<vmem>> -> memref<1x128xi32, #tpu.memory_space<vmem>>
    %dma_start3A_130 = tpu.memref_squeeze %dma_start3A_129 : memref<1x128xi32, #tpu.memory_space<vmem>> -> memref<128xi32, #tpu.memory_space<vmem>>
    %dma_start3A_131 = arith.constant 0 : i32
    %dma_start3A_132 = arith.constant 0 : i32
    %dma_start3A_133 = tpu.memref_slice %arg9[%dma_start3A_131, %dma_start3A_132] : memref<10240x128xf32, #tpu.memory_space<vmem_shared>> -> memref<10240x128xf32, #tpu.memory_space<vmem_shared>>
    tpu.enqueue_indirect_dma source(%dma_start3A_133 : memref<10240x128xf32, #tpu.memory_space<vmem_shared>>) target(%arg8 : memref<128x128xf32, #tpu.memory_space<vmem>>) offsets(%dma_start3A_130 : memref<128xi32, #tpu.memory_space<vmem>>) semaphore(%arg11 : memref<!tpu.dma_semaphore, #tpu.memory_space<semaphore_mem>>)
    %dma_wait3A_134 = arith.constant 0 : i32
    %dma_wait3A_135 = arith.constant 0 : i32
    %dma_wait3A_136 = tpu.memref_slice %arg7[%dma_wait3A_134, %dma_wait3A_135] : memref<81x128xi32, #tpu.memory_space<vmem>> -> memref<1x128xi32, #tpu.memory_space<vmem>>
    %dma_wait3A_137 = tpu.memref_squeeze %dma_wait3A_136 : memref<1x128xi32, #tpu.memory_space<vmem>> -> memref<128xi32, #tpu.memory_space<vmem>>
    %dma_wait3A_138 = arith.constant 0 : i32
    %dma_wait3A_139 = arith.constant 0 : i32
    %dma_wait3A_140 = tpu.memref_slice %arg9[%dma_wait3A_138, %dma_wait3A_139] : memref<10240x128xf32, #tpu.memory_space<vmem_shared>> -> memref<10240x128xf32, #tpu.memory_space<vmem_shared>>
    tpu.wait_indirect_dma semaphore(%arg11 : memref<!tpu.dma_semaphore, #tpu.memory_space<semaphore_mem>>) src(%dma_wait3A_140 : memref<10240x128xf32, #tpu.memory_space<vmem_shared>>) dst(%arg8 : memref<128x128xf32, #tpu.memory_space<vmem>>)
    %mul3A_141 = arith.constant 640 : i32
    %mul3A_142 = arith.muli %arg1, %mul3A_141 : i32
    %add3A_143 = arith.constant 128 : i32
    %add3A_144 = arith.addi %mul3A_142, %add3A_143 : i32
    "tpu.region"() ({
      %run_scoped3A_214 = tpu.sem_alloc : memref<!tpu.dma_semaphore, #tpu.memory_space<semaphore_mem>>
      %dma_start3A_215 = arith.constant 0 : i32
      %dma_start3A_216 = tpu.memref_slice %arg6[%arg0, %add3A_144, %dma_start3A_215] : memref<2x10240x128xf32, #tpu.memory_space<hbm>> -> memref<1x128x128xf32, #tpu.memory_space<hbm>>
      %dma_start3A_217 = tpu.memref_squeeze %dma_start3A_216 : memref<1x128x128xf32, #tpu.memory_space<hbm>> -> memref<128x128xf32, #tpu.memory_space<hbm>>
      %dma_start3A_218 = arith.constant 0 : i32
      %dma_start3A_219 = tpu.memref_slice %arg6[%arg0, %add3A_144, %dma_start3A_218] : memref<2x10240x128xf32, #tpu.memory_space<hbm>> -> memref<1x128x128xf32, #tpu.memory_space<hbm>>
      %dma_start3A_220 = tpu.memref_squeeze %dma_start3A_219 : memref<1x128x128xf32, #tpu.memory_space<hbm>> -> memref<128x128xf32, #tpu.memory_space<hbm>>
      tpu.enqueue_dma source(%arg8 : memref<128x128xf32, #tpu.memory_space<vmem>>) target(%dma_start3A_220 : memref<128x128xf32, #tpu.memory_space<hbm>>) target_semaphore(%run_scoped3A_214 : memref<!tpu.dma_semaphore, #tpu.memory_space<semaphore_mem>>)
      %dma_wait3A_221 = arith.constant 0 : i32
      %dma_wait3A_222 = tpu.memref_slice %arg6[%arg0, %add3A_144, %dma_wait3A_221] : memref<2x10240x128xf32, #tpu.memory_space<hbm>> -> memref<1x128x128xf32, #tpu.memory_space<hbm>>
      %dma_wait3A_223 = tpu.memref_squeeze %dma_wait3A_222 : memref<1x128x128xf32, #tpu.memory_space<hbm>> -> memref<128x128xf32, #tpu.memory_space<hbm>>
      %dma_wait3A_224 = arith.constant 0 : i32
      %dma_wait3A_225 = tpu.memref_slice %arg6[%arg0, %add3A_144, %dma_wait3A_224] : memref<2x10240x128xf32, #tpu.memory_space<hbm>> -> memref<1x128x128xf32, #tpu.memory_space<hbm>>
      %dma_wait3A_226 = tpu.memref_squeeze %dma_wait3A_225 : memref<1x128x128xf32, #tpu.memory_space<hbm>> -> memref<128x128xf32, #tpu.memory_space<hbm>>
      tpu.wait_dma2 semaphore(%run_scoped3A_214 : memref<!tpu.dma_semaphore, #tpu.memory_space<semaphore_mem>>) src(%arg8 : memref<128x128xf32, #tpu.memory_space<vmem>>) dst(%dma_wait3A_226 : memref<128x128xf32, #tpu.memory_space<hbm>>)
      tpu.yield
    }) : () -> ()
    %mul3A_145 = arith.constant 640 : i32
    %mul3A_146 = arith.muli %arg1, %mul3A_145 : i32
    %add3A_147 = arith.constant 256 : i32
    %add3A_148 = arith.addi %mul3A_146, %add3A_147 : i32
    %run_scoped3A_149 = arith.constant 0 : i32
    "tpu.region"() ({
      %run_scoped3A_214 = tpu.sem_alloc : memref<!tpu.dma_semaphore, #tpu.memory_space<semaphore_mem>>
      %dma_start3A_215 = arith.constant 0 : i32
      %dma_start3A_216 = tpu.memref_slice %arg7[%run_scoped3A_149, %dma_start3A_215] : memref<81x128xi32, #tpu.memory_space<vmem>> -> memref<1x128xi32, #tpu.memory_space<vmem>>
      %dma_start3A_217 = tpu.memref_squeeze %dma_start3A_216 : memref<1x128xi32, #tpu.memory_space<vmem>> -> memref<128xi32, #tpu.memory_space<vmem>>
      %dma_start3A_218 = tpu.memref_slice %arg5[%add3A_148] : memref<10240xi32, #tpu.memory_space<hbm>> -> memref<128xi32, #tpu.memory_space<hbm>>
      %dma_start3A_219 = arith.constant 0 : i32
      %dma_start3A_220 = tpu.memref_slice %arg7[%run_scoped3A_149, %dma_start3A_219] : memref<81x128xi32, #tpu.memory_space<vmem>> -> memref<1x128xi32, #tpu.memory_space<vmem>>
      %dma_start3A_221 = tpu.memref_squeeze %dma_start3A_220 : memref<1x128xi32, #tpu.memory_space<vmem>> -> memref<128xi32, #tpu.memory_space<vmem>>
      %dma_start3A_222 = tpu.memref_slice %arg5[%add3A_148] : memref<10240xi32, #tpu.memory_space<hbm>> -> memref<128xi32, #tpu.memory_space<hbm>>
      tpu.enqueue_dma source(%dma_start3A_222 : memref<128xi32, #tpu.memory_space<hbm>>) target(%dma_start3A_221 : memref<128xi32, #tpu.memory_space<vmem>>) target_semaphore(%run_scoped3A_214 : memref<!tpu.dma_semaphore, #tpu.memory_space<semaphore_mem>>)
      %dma_wait3A_223 = arith.constant 0 : i32
      %dma_wait3A_224 = tpu.memref_slice %arg7[%run_scoped3A_149, %dma_wait3A_223] : memref<81x128xi32, #tpu.memory_space<vmem>> -> memref<1x128xi32, #tpu.memory_space<vmem>>
      %dma_wait3A_225 = tpu.memref_squeeze %dma_wait3A_224 : memref<1x128xi32, #tpu.memory_space<vmem>> -> memref<128xi32, #tpu.memory_space<vmem>>
      %dma_wait3A_226 = tpu.memref_slice %arg5[%add3A_148] : memref<10240xi32, #tpu.memory_space<hbm>> -> memref<128xi32, #tpu.memory_space<hbm>>
      %dma_wait3A_227 = arith.constant 0 : i32
      %dma_wait3A_228 = tpu.memref_slice %arg7[%run_scoped3A_149, %dma_wait3A_227] : memref<81x128xi32, #tpu.memory_space<vmem>> -> memref<1x128xi32, #tpu.memory_space<vmem>>
      %dma_wait3A_229 = tpu.memref_squeeze %dma_wait3A_228 : memref<1x128xi32, #tpu.memory_space<vmem>> -> memref<128xi32, #tpu.memory_space<vmem>>
      %dma_wait3A_230 = tpu.memref_slice %arg5[%add3A_148] : memref<10240xi32, #tpu.memory_space<hbm>> -> memref<128xi32, #tpu.memory_space<hbm>>
      tpu.wait_dma2 semaphore(%run_scoped3A_214 : memref<!tpu.dma_semaphore, #tpu.memory_space<semaphore_mem>>) src(%dma_wait3A_230 : memref<128xi32, #tpu.memory_space<hbm>>) dst(%dma_wait3A_229 : memref<128xi32, #tpu.memory_space<vmem>>)
      tpu.yield
    }) : () -> ()
    %dma_start3A_150 = arith.constant 0 : i32
    %dma_start3A_151 = arith.constant 0 : i32
    %dma_start3A_152 = tpu.memref_slice %arg7[%dma_start3A_150, %dma_start3A_151] : memref<81x128xi32, #tpu.memory_space<vmem>> -> memref<1x128xi32, #tpu.memory_space<vmem>>
    %dma_start3A_153 = tpu.memref_squeeze %dma_start3A_152 : memref<1x128xi32, #tpu.memory_space<vmem>> -> memref<128xi32, #tpu.memory_space<vmem>>
    %dma_start3A_154 = arith.constant 0 : i32
    %dma_start3A_155 = arith.constant 0 : i32
    %dma_start3A_156 = tpu.memref_slice %arg9[%dma_start3A_154, %dma_start3A_155] : memref<10240x128xf32, #tpu.memory_space<vmem_shared>> -> memref<10240x128xf32, #tpu.memory_space<vmem_shared>>
    tpu.enqueue_indirect_dma source(%dma_start3A_156 : memref<10240x128xf32, #tpu.memory_space<vmem_shared>>) target(%arg8 : memref<128x128xf32, #tpu.memory_space<vmem>>) offsets(%dma_start3A_153 : memref<128xi32, #tpu.memory_space<vmem>>) semaphore(%arg11 : memref<!tpu.dma_semaphore, #tpu.memory_space<semaphore_mem>>)
    %dma_wait3A_157 = arith.constant 0 : i32
    %dma_wait3A_158 = arith.constant 0 : i32
    %dma_wait3A_159 = tpu.memref_slice %arg7[%dma_wait3A_157, %dma_wait3A_158] : memref<81x128xi32, #tpu.memory_space<vmem>> -> memref<1x128xi32, #tpu.memory_space<vmem>>
    %dma_wait3A_160 = tpu.memref_squeeze %dma_wait3A_159 : memref<1x128xi32, #tpu.memory_space<vmem>> -> memref<128xi32, #tpu.memory_space<vmem>>
    %dma_wait3A_161 = arith.constant 0 : i32
    %dma_wait3A_162 = arith.constant 0 : i32
    %dma_wait3A_163 = tpu.memref_slice %arg9[%dma_wait3A_161, %dma_wait3A_162] : memref<10240x128xf32, #tpu.memory_space<vmem_shared>> -> memref<10240x128xf32, #tpu.memory_space<vmem_shared>>
    tpu.wait_indirect_dma semaphore(%arg11 : memref<!tpu.dma_semaphore, #tpu.memory_space<semaphore_mem>>) src(%dma_wait3A_163 : memref<10240x128xf32, #tpu.memory_space<vmem_shared>>) dst(%arg8 : memref<128x128xf32, #tpu.memory_space<vmem>>)
    %mul3A_164 = arith.constant 640 : i32
    %mul3A_165 = arith.muli %arg1, %mul3A_164 : i32
    %add3A_166 = arith.constant 256 : i32
    %add3A_167 = arith.addi %mul3A_165, %add3A_166 : i32
    "tpu.region"() ({
      %run_scoped3A_214 = tpu.sem_alloc : memref<!tpu.dma_semaphore, #tpu.memory_space<semaphore_mem>>
      %dma_start3A_215 = arith.constant 0 : i32
      %dma_start3A_216 = tpu.memref_slice %arg6[%arg0, %add3A_167, %dma_start3A_215] : memref<2x10240x128xf32, #tpu.memory_space<hbm>> -> memref<1x128x128xf32, #tpu.memory_space<hbm>>
      %dma_start3A_217 = tpu.memref_squeeze %dma_start3A_216 : memref<1x128x128xf32, #tpu.memory_space<hbm>> -> memref<128x128xf32, #tpu.memory_space<hbm>>
      %dma_start3A_218 = arith.constant 0 : i32
      %dma_start3A_219 = tpu.memref_slice %arg6[%arg0, %add3A_167, %dma_start3A_218] : memref<2x10240x128xf32, #tpu.memory_space<hbm>> -> memref<1x128x128xf32, #tpu.memory_space<hbm>>
      %dma_start3A_220 = tpu.memref_squeeze %dma_start3A_219 : memref<1x128x128xf32, #tpu.memory_space<hbm>> -> memref<128x128xf32, #tpu.memory_space<hbm>>
      tpu.enqueue_dma source(%arg8 : memref<128x128xf32, #tpu.memory_space<vmem>>) target(%dma_start3A_220 : memref<128x128xf32, #tpu.memory_space<hbm>>) target_semaphore(%run_scoped3A_214 : memref<!tpu.dma_semaphore, #tpu.memory_space<semaphore_mem>>)
      %dma_wait3A_221 = arith.constant 0 : i32
      %dma_wait3A_222 = tpu.memref_slice %arg6[%arg0, %add3A_167, %dma_wait3A_221] : memref<2x10240x128xf32, #tpu.memory_space<hbm>> -> memref<1x128x128xf32, #tpu.memory_space<hbm>>
      %dma_wait3A_223 = tpu.memref_squeeze %dma_wait3A_222 : memref<1x128x128xf32, #tpu.memory_space<hbm>> -> memref<128x128xf32, #tpu.memory_space<hbm>>
      %dma_wait3A_224 = arith.constant 0 : i32
      %dma_wait3A_225 = tpu.memref_slice %arg6[%arg0, %add3A_167, %dma_wait3A_224] : memref<2x10240x128xf32, #tpu.memory_space<hbm>> -> memref<1x128x128xf32, #tpu.memory_space<hbm>>
      %dma_wait3A_226 = tpu.memref_squeeze %dma_wait3A_225 : memref<1x128x128xf32, #tpu.memory_space<hbm>> -> memref<128x128xf32, #tpu.memory_space<hbm>>
      tpu.wait_dma2 semaphore(%run_scoped3A_214 : memref<!tpu.dma_semaphore, #tpu.memory_space<semaphore_mem>>) src(%arg8 : memref<128x128xf32, #tpu.memory_space<vmem>>) dst(%dma_wait3A_226 : memref<128x128xf32, #tpu.memory_space<hbm>>)
      tpu.yield
    }) : () -> ()
    %mul3A_168 = arith.constant 640 : i32
    %mul3A_169 = arith.muli %arg1, %mul3A_168 : i32
    %add3A_170 = arith.constant 384 : i32
    %add3A_171 = arith.addi %mul3A_169, %add3A_170 : i32
    %run_scoped3A_172 = arith.constant 0 : i32
    "tpu.region"() ({
      %run_scoped3A_214 = tpu.sem_alloc : memref<!tpu.dma_semaphore, #tpu.memory_space<semaphore_mem>>
      %dma_start3A_215 = arith.constant 0 : i32
      %dma_start3A_216 = tpu.memref_slice %arg7[%run_scoped3A_172, %dma_start3A_215] : memref<81x128xi32, #tpu.memory_space<vmem>> -> memref<1x128xi32, #tpu.memory_space<vmem>>
      %dma_start3A_217 = tpu.memref_squeeze %dma_start3A_216 : memref<1x128xi32, #tpu.memory_space<vmem>> -> memref<128xi32, #tpu.memory_space<vmem>>
      %dma_start3A_218 = tpu.memref_slice %arg5[%add3A_171] : memref<10240xi32, #tpu.memory_space<hbm>> -> memref<128xi32, #tpu.memory_space<hbm>>
      %dma_start3A_219 = arith.constant 0 : i32
      %dma_start3A_220 = tpu.memref_slice %arg7[%run_scoped3A_172, %dma_start3A_219] : memref<81x128xi32, #tpu.memory_space<vmem>> -> memref<1x128xi32, #tpu.memory_space<vmem>>
      %dma_start3A_221 = tpu.memref_squeeze %dma_start3A_220 : memref<1x128xi32, #tpu.memory_space<vmem>> -> memref<128xi32, #tpu.memory_space<vmem>>
      %dma_start3A_222 = tpu.memref_slice %arg5[%add3A_171] : memref<10240xi32, #tpu.memory_space<hbm>> -> memref<128xi32, #tpu.memory_space<hbm>>
      tpu.enqueue_dma source(%dma_start3A_222 : memref<128xi32, #tpu.memory_space<hbm>>) target(%dma_start3A_221 : memref<128xi32, #tpu.memory_space<vmem>>) target_semaphore(%run_scoped3A_214 : memref<!tpu.dma_semaphore, #tpu.memory_space<semaphore_mem>>)
      %dma_wait3A_223 = arith.constant 0 : i32
      %dma_wait3A_224 = tpu.memref_slice %arg7[%run_scoped3A_172, %dma_wait3A_223] : memref<81x128xi32, #tpu.memory_space<vmem>> -> memref<1x128xi32, #tpu.memory_space<vmem>>
      %dma_wait3A_225 = tpu.memref_squeeze %dma_wait3A_224 : memref<1x128xi32, #tpu.memory_space<vmem>> -> memref<128xi32, #tpu.memory_space<vmem>>
      %dma_wait3A_226 = tpu.memref_slice %arg5[%add3A_171] : memref<10240xi32, #tpu.memory_space<hbm>> -> memref<128xi32, #tpu.memory_space<hbm>>
      %dma_wait3A_227 = arith.constant 0 : i32
      %dma_wait3A_228 = tpu.memref_slice %arg7[%run_scoped3A_172, %dma_wait3A_227] : memref<81x128xi32, #tpu.memory_space<vmem>> -> memref<1x128xi32, #tpu.memory_space<vmem>>
      %dma_wait3A_229 = tpu.memref_squeeze %dma_wait3A_228 : memref<1x128xi32, #tpu.memory_space<vmem>> -> memref<128xi32, #tpu.memory_space<vmem>>
      %dma_wait3A_230 = tpu.memref_slice %arg5[%add3A_171] : memref<10240xi32, #tpu.memory_space<hbm>> -> memref<128xi32, #tpu.memory_space<hbm>>
      tpu.wait_dma2 semaphore(%run_scoped3A_214 : memref<!tpu.dma_semaphore, #tpu.memory_space<semaphore_mem>>) src(%dma_wait3A_230 : memref<128xi32, #tpu.memory_space<hbm>>) dst(%dma_wait3A_229 : memref<128xi32, #tpu.memory_space<vmem>>)
      tpu.yield
    }) : () -> ()
    %dma_start3A_173 = arith.constant 0 : i32
    %dma_start3A_174 = arith.constant 0 : i32
    %dma_start3A_175 = tpu.memref_slice %arg7[%dma_start3A_173, %dma_start3A_174] : memref<81x128xi32, #tpu.memory_space<vmem>> -> memref<1x128xi32, #tpu.memory_space<vmem>>
    %dma_start3A_176 = tpu.memref_squeeze %dma_start3A_175 : memref<1x128xi32, #tpu.memory_space<vmem>> -> memref<128xi32, #tpu.memory_space<vmem>>
    %dma_start3A_177 = arith.constant 0 : i32
    %dma_start3A_178 = arith.constant 0 : i32
    %dma_start3A_179 = tpu.memref_slice %arg9[%dma_start3A_177, %dma_start3A_178] : memref<10240x128xf32, #tpu.memory_space<vmem_shared>> -> memref<10240x128xf32, #tpu.memory_space<vmem_shared>>
    tpu.enqueue_indirect_dma source(%dma_start3A_179 : memref<10240x128xf32, #tpu.memory_space<vmem_shared>>) target(%arg8 : memref<128x128xf32, #tpu.memory_space<vmem>>) offsets(%dma_start3A_176 : memref<128xi32, #tpu.memory_space<vmem>>) semaphore(%arg11 : memref<!tpu.dma_semaphore, #tpu.memory_space<semaphore_mem>>)
    %dma_wait3A_180 = arith.constant 0 : i32
    %dma_wait3A_181 = arith.constant 0 : i32
    %dma_wait3A_182 = tpu.memref_slice %arg7[%dma_wait3A_180, %dma_wait3A_181] : memref<81x128xi32, #tpu.memory_space<vmem>> -> memref<1x128xi32, #tpu.memory_space<vmem>>
    %dma_wait3A_183 = tpu.memref_squeeze %dma_wait3A_182 : memref<1x128xi32, #tpu.memory_space<vmem>> -> memref<128xi32, #tpu.memory_space<vmem>>
    %dma_wait3A_184 = arith.constant 0 : i32
    %dma_wait3A_185 = arith.constant 0 : i32
    %dma_wait3A_186 = tpu.memref_slice %arg9[%dma_wait3A_184, %dma_wait3A_185] : memref<10240x128xf32, #tpu.memory_space<vmem_shared>> -> memref<10240x128xf32, #tpu.memory_space<vmem_shared>>
    tpu.wait_indirect_dma semaphore(%arg11 : memref<!tpu.dma_semaphore, #tpu.memory_space<semaphore_mem>>) src(%dma_wait3A_186 : memref<10240x128xf32, #tpu.memory_space<vmem_shared>>) dst(%arg8 : memref<128x128xf32, #tpu.memory_space<vmem>>)
    %mul3A_187 = arith.constant 640 : i32
    %mul3A_188 = arith.muli %arg1, %mul3A_187 : i32
    %add3A_189 = arith.constant 384 : i32
    %add3A_190 = arith.addi %mul3A_188, %add3A_189 : i32
    "tpu.region"() ({
      %run_scoped3A_214 = tpu.sem_alloc : memref<!tpu.dma_semaphore, #tpu.memory_space<semaphore_mem>>
      %dma_start3A_215 = arith.constant 0 : i32
      %dma_start3A_216 = tpu.memref_slice %arg6[%arg0, %add3A_190, %dma_start3A_215] : memref<2x10240x128xf32, #tpu.memory_space<hbm>> -> memref<1x128x128xf32, #tpu.memory_space<hbm>>
      %dma_start3A_217 = tpu.memref_squeeze %dma_start3A_216 : memref<1x128x128xf32, #tpu.memory_space<hbm>> -> memref<128x128xf32, #tpu.memory_space<hbm>>
      %dma_start3A_218 = arith.constant 0 : i32
      %dma_start3A_219 = tpu.memref_slice %arg6[%arg0, %add3A_190, %dma_start3A_218] : memref<2x10240x128xf32, #tpu.memory_space<hbm>> -> memref<1x128x128xf32, #tpu.memory_space<hbm>>
      %dma_start3A_220 = tpu.memref_squeeze %dma_start3A_219 : memref<1x128x128xf32, #tpu.memory_space<hbm>> -> memref<128x128xf32, #tpu.memory_space<hbm>>
      tpu.enqueue_dma source(%arg8 : memref<128x128xf32, #tpu.memory_space<vmem>>) target(%dma_start3A_220 : memref<128x128xf32, #tpu.memory_space<hbm>>) target_semaphore(%run_scoped3A_214 : memref<!tpu.dma_semaphore, #tpu.memory_space<semaphore_mem>>)
      %dma_wait3A_221 = arith.constant 0 : i32
      %dma_wait3A_222 = tpu.memref_slice %arg6[%arg0, %add3A_190, %dma_wait3A_221] : memref<2x10240x128xf32, #tpu.memory_space<hbm>> -> memref<1x128x128xf32, #tpu.memory_space<hbm>>
      %dma_wait3A_223 = tpu.memref_squeeze %dma_wait3A_222 : memref<1x128x128xf32, #tpu.memory_space<hbm>> -> memref<128x128xf32, #tpu.memory_space<hbm>>
      %dma_wait3A_224 = arith.constant 0 : i32
      %dma_wait3A_225 = tpu.memref_slice %arg6[%arg0, %add3A_190, %dma_wait3A_224] : memref<2x10240x128xf32, #tpu.memory_space<hbm>> -> memref<1x128x128xf32, #tpu.memory_space<hbm>>
      %dma_wait3A_226 = tpu.memref_squeeze %dma_wait3A_225 : memref<1x128x128xf32, #tpu.memory_space<hbm>> -> memref<128x128xf32, #tpu.memory_space<hbm>>
      tpu.wait_dma2 semaphore(%run_scoped3A_214 : memref<!tpu.dma_semaphore, #tpu.memory_space<semaphore_mem>>) src(%arg8 : memref<128x128xf32, #tpu.memory_space<vmem>>) dst(%dma_wait3A_226 : memref<128x128xf32, #tpu.memory_space<hbm>>)
      tpu.yield
    }) : () -> ()
    %mul3A_191 = arith.constant 640 : i32
    %mul3A_192 = arith.muli %arg1, %mul3A_191 : i32
    %add3A_193 = arith.constant 512 : i32
    %add3A_194 = arith.addi %mul3A_192, %add3A_193 : i32
    %run_scoped3A_195 = arith.constant 0 : i32
    "tpu.region"() ({
      %run_scoped3A_214 = tpu.sem_alloc : memref<!tpu.dma_semaphore, #tpu.memory_space<semaphore_mem>>
      %dma_start3A_215 = arith.constant 0 : i32
      %dma_start3A_216 = tpu.memref_slice %arg7[%run_scoped3A_195, %dma_start3A_215] : memref<81x128xi32, #tpu.memory_space<vmem>> -> memref<1x128xi32, #tpu.memory_space<vmem>>
      %dma_start3A_217 = tpu.memref_squeeze %dma_start3A_216 : memref<1x128xi32, #tpu.memory_space<vmem>> -> memref<128xi32, #tpu.memory_space<vmem>>
      %dma_start3A_218 = tpu.memref_slice %arg5[%add3A_194] : memref<10240xi32, #tpu.memory_space<hbm>> -> memref<128xi32, #tpu.memory_space<hbm>>
      %dma_start3A_219 = arith.constant 0 : i32
      %dma_start3A_220 = tpu.memref_slice %arg7[%run_scoped3A_195, %dma_start3A_219] : memref<81x128xi32, #tpu.memory_space<vmem>> -> memref<1x128xi32, #tpu.memory_space<vmem>>
      %dma_start3A_221 = tpu.memref_squeeze %dma_start3A_220 : memref<1x128xi32, #tpu.memory_space<vmem>> -> memref<128xi32, #tpu.memory_space<vmem>>
      %dma_start3A_222 = tpu.memref_slice %arg5[%add3A_194] : memref<10240xi32, #tpu.memory_space<hbm>> -> memref<128xi32, #tpu.memory_space<hbm>>
      tpu.enqueue_dma source(%dma_start3A_222 : memref<128xi32, #tpu.memory_space<hbm>>) target(%dma_start3A_221 : memref<128xi32, #tpu.memory_space<vmem>>) target_semaphore(%run_scoped3A_214 : memref<!tpu.dma_semaphore, #tpu.memory_space<semaphore_mem>>)
      %dma_wait3A_223 = arith.constant 0 : i32
      %dma_wait3A_224 = tpu.memref_slice %arg7[%run_scoped3A_195, %dma_wait3A_223] : memref<81x128xi32, #tpu.memory_space<vmem>> -> memref<1x128xi32, #tpu.memory_space<vmem>>
      %dma_wait3A_225 = tpu.memref_squeeze %dma_wait3A_224 : memref<1x128xi32, #tpu.memory_space<vmem>> -> memref<128xi32, #tpu.memory_space<vmem>>
      %dma_wait3A_226 = tpu.memref_slice %arg5[%add3A_194] : memref<10240xi32, #tpu.memory_space<hbm>> -> memref<128xi32, #tpu.memory_space<hbm>>
      %dma_wait3A_227 = arith.constant 0 : i32
      %dma_wait3A_228 = tpu.memref_slice %arg7[%run_scoped3A_195, %dma_wait3A_227] : memref<81x128xi32, #tpu.memory_space<vmem>> -> memref<1x128xi32, #tpu.memory_space<vmem>>
      %dma_wait3A_229 = tpu.memref_squeeze %dma_wait3A_228 : memref<1x128xi32, #tpu.memory_space<vmem>> -> memref<128xi32, #tpu.memory_space<vmem>>
      %dma_wait3A_230 = tpu.memref_slice %arg5[%add3A_194] : memref<10240xi32, #tpu.memory_space<hbm>> -> memref<128xi32, #tpu.memory_space<hbm>>
      tpu.wait_dma2 semaphore(%run_scoped3A_214 : memref<!tpu.dma_semaphore, #tpu.memory_space<semaphore_mem>>) src(%dma_wait3A_230 : memref<128xi32, #tpu.memory_space<hbm>>) dst(%dma_wait3A_229 : memref<128xi32, #tpu.memory_space<vmem>>)
      tpu.yield
    }) : () -> ()
    %dma_start3A_196 = arith.constant 0 : i32
    %dma_start3A_197 = arith.constant 0 : i32
    %dma_start3A_198 = tpu.memref_slice %arg7[%dma_start3A_196, %dma_start3A_197] : memref<81x128xi32, #tpu.memory_space<vmem>> -> memref<1x128xi32, #tpu.memory_space<vmem>>
    %dma_start3A_199 = tpu.memref_squeeze %dma_start3A_198 : memref<1x128xi32, #tpu.memory_space<vmem>> -> memref<128xi32, #tpu.memory_space<vmem>>
    %dma_start3A_200 = arith.constant 0 : i32
    %dma_start3A_201 = arith.constant 0 : i32
    %dma_start3A_202 = tpu.memref_slice %arg9[%dma_start3A_200, %dma_start3A_201] : memref<10240x128xf32, #tpu.memory_space<vmem_shared>> -> memref<10240x128xf32, #tpu.memory_space<vmem_shared>>
    tpu.enqueue_indirect_dma source(%dma_start3A_202 : memref<10240x128xf32, #tpu.memory_space<vmem_shared>>) target(%arg8 : memref<128x128xf32, #tpu.memory_space<vmem>>) offsets(%dma_start3A_199 : memref<128xi32, #tpu.memory_space<vmem>>) semaphore(%arg11 : memref<!tpu.dma_semaphore, #tpu.memory_space<semaphore_mem>>)
    %dma_wait3A_203 = arith.constant 0 : i32
    %dma_wait3A_204 = arith.constant 0 : i32
    %dma_wait3A_205 = tpu.memref_slice %arg7[%dma_wait3A_203, %dma_wait3A_204] : memref<81x128xi32, #tpu.memory_space<vmem>> -> memref<1x128xi32, #tpu.memory_space<vmem>>
    %dma_wait3A_206 = tpu.memref_squeeze %dma_wait3A_205 : memref<1x128xi32, #tpu.memory_space<vmem>> -> memref<128xi32, #tpu.memory_space<vmem>>
    %dma_wait3A_207 = arith.constant 0 : i32
    %dma_wait3A_208 = arith.constant 0 : i32
    %dma_wait3A_209 = tpu.memref_slice %arg9[%dma_wait3A_207, %dma_wait3A_208] : memref<10240x128xf32, #tpu.memory_space<vmem_shared>> -> memref<10240x128xf32, #tpu.memory_space<vmem_shared>>
    tpu.wait_indirect_dma semaphore(%arg11 : memref<!tpu.dma_semaphore, #tpu.memory_space<semaphore_mem>>) src(%dma_wait3A_209 : memref<10240x128xf32, #tpu.memory_space<vmem_shared>>) dst(%arg8 : memref<128x128xf32, #tpu.memory_space<vmem>>)
    %mul3A_210 = arith.constant 640 : i32
    %mul3A_211 = arith.muli %arg1, %mul3A_210 : i32
    %add3A_212 = arith.constant 512 : i32
    %add3A_213 = arith.addi %mul3A_211, %add3A_212 : i32
    "tpu.region"() ({
      %run_scoped3A_214 = tpu.sem_alloc : memref<!tpu.dma_semaphore, #tpu.memory_space<semaphore_mem>>
      %dma_start3A_215 = arith.constant 0 : i32
      %dma_start3A_216 = tpu.memref_slice %arg6[%arg0, %add3A_213, %dma_start3A_215] : memref<2x10240x128xf32, #tpu.memory_space<hbm>> -> memref<1x128x128xf32, #tpu.memory_space<hbm>>
      %dma_start3A_217 = tpu.memref_squeeze %dma_start3A_216 : memref<1x128x128xf32, #tpu.memory_space<hbm>> -> memref<128x128xf32, #tpu.memory_space<hbm>>
      %dma_start3A_218 = arith.constant 0 : i32
      %dma_start3A_219 = tpu.memref_slice %arg6[%arg0, %add3A_213, %dma_start3A_218] : memref<2x10240x128xf32, #tpu.memory_space<hbm>> -> memref<1x128x128xf32, #tpu.memory_space<hbm>>
      %dma_start3A_220 = tpu.memref_squeeze %dma_start3A_219 : memref<1x128x128xf32, #tpu.memory_space<hbm>> -> memref<128x128xf32, #tpu.memory_space<hbm>>
      tpu.enqueue_dma source(%arg8 : memref<128x128xf32, #tpu.memory_space<vmem>>) target(%dma_start3A_220 : memref<128x128xf32, #tpu.memory_space<hbm>>) target_semaphore(%run_scoped3A_214 : memref<!tpu.dma_semaphore, #tpu.memory_space<semaphore_mem>>)
      %dma_wait3A_221 = arith.constant 0 : i32
      %dma_wait3A_222 = tpu.memref_slice %arg6[%arg0, %add3A_213, %dma_wait3A_221] : memref<2x10240x128xf32, #tpu.memory_space<hbm>> -> memref<1x128x128xf32, #tpu.memory_space<hbm>>
      %dma_wait3A_223 = tpu.memref_squeeze %dma_wait3A_222 : memref<1x128x128xf32, #tpu.memory_space<hbm>> -> memref<128x128xf32, #tpu.memory_space<hbm>>
      %dma_wait3A_224 = arith.constant 0 : i32
      %dma_wait3A_225 = tpu.memref_slice %arg6[%arg0, %add3A_213, %dma_wait3A_224] : memref<2x10240x128xf32, #tpu.memory_space<hbm>> -> memref<1x128x128xf32, #tpu.memory_space<hbm>>
      %dma_wait3A_226 = tpu.memref_squeeze %dma_wait3A_225 : memref<1x128x128xf32, #tpu.memory_space<hbm>> -> memref<128x128xf32, #tpu.memory_space<hbm>>
      tpu.wait_dma2 semaphore(%run_scoped3A_214 : memref<!tpu.dma_semaphore, #tpu.memory_space<semaphore_mem>>) src(%arg8 : memref<128x128xf32, #tpu.memory_space<vmem>>) dst(%dma_wait3A_226 : memref<128x128xf32, #tpu.memory_space<hbm>>)
      tpu.yield
    }) : () -> ()
    return
  }
}

</mosaic_0001>

<sc_bundles>
// kernel: _deg_call.3.cloned.1.call-start
scs
__scs_entry_jumppad:
0x0: {  	(pc) =	sbr.rel $0x88, $3  }
0x1: {  	(tag) =	ssettag $0x0;
	lr =	simm.s32 $0x1  }
0x2: {  	[smem:$0x3F9D] =	sst lr;
	_ =	strace $0xD0000000  }
0x3: {  	_ = 	snop  }
0x4: {  	_ = 	snop  }
0x5: {  	_ = 	snop  }
0x6: {  	_ = 	snop  }
0x7: {  	_ = 	snop  }
__scs_overlays_trampoline_lowered:
0x8: {  	[smem:$0x3FAC] =	sst s0  }
0x9: {  	[smem:$0x3FAD] =	sst s1  }
0xa: {  	[smem:$0x3FAE] =	sst s2  }
0xb: {  	[smem:$0x3FAF] =	sst s3  }
0xc: {  	[smem:$0x3FB0] =	sst s4  }
0xd: {  	[smem:$0x3FB1] =	sst s5  }
0xe: {  	[smem:$0x3FB2] =	sst s6  }
0xf: {  	[smem:$0x3FB3] =	sst s7  }
0x10: {  	[smem:$0x3FB4] =	sst s8  }
0x11: {  	[smem:$0x3FB5] =	sst s9;
	s0 =	simm.s32 @!p0 $0x0  }
0x12: {  	s1 =	sld [smem:$0x3F9B];
	s0 =	simm.s32 @p0 $0x1  }
0x13: {  	[smem:$0x3FB6] =	sst s0;
	s0 =	simm.s32 @!p1 $0x0  }
0x14: {  	s2 =	sld [smem:$0x3F9A];
	s0 =	simm.s32 @p1 $0x1  }
0x15: {  	[smem:$0x3FB7] =	sst s0;
	s0 =	simm.s32 @!p2 $0x0  }
0x16: {  	s3 =	sld [smem:$0x3FDB];
	s0 =	simm.s32 @p2 $0x1  }
0x17: {  	s4 =	simm.s32 $0x1BF5;
	[smem:$0x3FB9] =	sst s0  }
0x18: {  	s0 =	sld [smem:$0x3F9C];
	_ =	swait.ge [sflag:s4], $0x0  }
0x19: {  	s7 =	sld [smem:$0x3F9D]  }
0x1a: {  	s8 =	sadd.s32 $0xFFFFE003, lr  }
0x1b: {  	s9 =	sadd.s32 $0xFFFFFEF7, lr;
	s5 =	simm.s32 $0xFFFFFFFF;
	p2 =	slt.u32 s8, $0xFFFFF086  }
0x1c: {  	p1 =	slt.u32 s9, $0xF7A;
	s5 =	simm.s32 @!p2 $0x0  }
0x1d: {  	s5 =	simm.s32 @p1 $0x1;
	p0 =	seq.s32 s7, s2  }
0x1e: {  	s7 =	smul.u32 @!p0 $0xF7A, s2;
	p2 =	seq.s32 @!p0 s5, $0x0  }
0x1f: {  	s9 =	smul.u32 $0xF7A, s1;
	s8 =	simm.s32 @!p0 $0x1BF5;
	p2 =	por !p2, p0  }
0x20: {  	[sflag:s8] =	ssyncset.s32 @!p0 $0xFFFFF086;
	s6 =	sadd.s32 @!p0 s3, s7;
	s7 =	simm.s32 @!p0 $0x108  }
0x21: {  	s3 =	sadd.s32 s3, s9;
	s6 =	sadd.s32 @!p0 $0x88, s6;
	s7 =	simm.s32 @p2 $0x1082  }
0x22: {  	[simem:s7], [sflag:s8] =	dma.local @!p0 [hbm:s6], $0xF7A  }
0x23: {  	s9 =	sor.u32 $0xD0000000, s2;
	s6 =	simm.s32 $0x108;
	_ =	swait.ge @!p0 [sflag:s8], $0x0  }
0x24: {  	s3 =	sadd.s32 $0x88, s3;
	s6 =	simm.s32 @!p1 $0x1082;
	[sflag:s4] =	ssyncset.s32 $0xFFFFF086  }
0x25: {  	[simem:s6], [sflag:s4] =	dma.local [hbm:s3], $0xF7A  }
0x26: {  	[smem:$0x3F9D] =	sst s1;
	(tag) =	ssettag s2;
	_ =	strace s9  }
0x27: {  	s1 =	sld [smem:$0x3FAD]  }
0x28: {  	s2 =	sld [smem:$0x3FAE]  }
0x29: {  	s4 =	sld [smem:$0x3FB0]  }
0x2a: {  	p0 =	seq.s32 s5, $0x0;
	s5 =	sld [smem:$0x3FB1]  }
0x2b: {  	s6 =	sld [smem:$0x3FB2]  }
0x2c: {  	s7 =	sld [smem:$0x3FB3]  }
0x2d: {  	s3 =	simm.s32 $0x108;
	s8 =	sld [smem:$0x3FB4]  }
0x2e: {  	s3 =	simm.s32 @!p0 $0x1082;
	s9 =	sld [smem:$0x3FB5]  }
0x2f: {  	lr =	sadd.s32 s0, s3;
	s0 =	sld [smem:$0x3FAC]  }
0x30: {  	s3 =	sld [smem:$0x3FAF]  }
0x31: {  	[smem:$0x3FB8] =	sst s10  }
0x32: {  	s10 =	sld [smem:$0x3FB6];
	_ =	sdelay $0x3  }
0x33: {  	p0 =	seq.s32 s10, $0x1;
	s10 =	sld [smem:$0x3FB8];
	_ =	sdelay $0x3  }
0x34: {  	[smem:$0x3FB8] =	sst s10  }
0x35: {  	s10 =	sld [smem:$0x3FB7];
	_ =	sdelay $0x3  }
0x36: {  	p1 =	seq.s32 s10, $0x1;
	s10 =	sld [smem:$0x3FB8];
	_ =	sdelay $0x3  }
0x37: {  	[smem:$0x3FB8] =	sst s10  }
0x38: {  	s10 =	sld [smem:$0x3FB9]  }
0x39: {  	_ = 	snop;
	(pc) =	sbr.ind lr, $3  }
0x3a: {  	_ = 	snop  }
0x3b: {  	_ = 	snop  }
0x3c: {  	p2 =	seq.s32 s10, $0x1;
	s10 =	sld [smem:$0x3FB8]  }
0x3d: {  	_ =	shalt  }
0x3e: {  	_ =	shalt  }
0x3f: {  	_ =	shalt  }
0x40: {  	_ =	shalt  }
0x41: {  	_ =	shalt  }
0x42: {  	_ =	shalt  }
0x43: {  	_ =	shalt  }
0x44: {  	_ =	shalt  }
0x45: {  	_ =	shalt  }
0x46: {  	_ =	shalt  }
0x47: {  	_ =	shalt  }
0x48: {  	_ =	shalt  }
0x49: {  	_ =	shalt  }
0x4a: {  	_ =	shalt  }
0x4b: {  	_ =	shalt  }
0x4c: {  	_ =	shalt  }
0x4d: {  	_ =	shalt  }
0x4e: {  	_ =	shalt  }
0x4f: {  	_ =	shalt  }
0x50: {  	_ =	shalt  }
0x51: {  	_ =	shalt  }
0x52: {  	_ =	shalt  }
0x53: {  	_ =	shalt  }
0x54: {  	_ =	shalt  }
0x55: {  	_ =	shalt  }
0x56: {  	_ =	shalt  }
0x57: {  	_ =	shalt  }
0x58: {  	_ =	shalt  }
0x59: {  	_ =	shalt  }
0x5a: {  	_ =	shalt  }
0x5b: {  	_ =	shalt  }
0x5c: {  	_ =	shalt  }
0x5d: {  	_ =	shalt  }
0x5e: {  	_ =	shalt  }
0x5f: {  	_ =	shalt  }
0x60: {  	_ =	shalt  }
0x61: {  	_ =	shalt  }
0x62: {  	_ =	shalt  }
0x63: {  	_ =	shalt  }
0x64: {  	_ =	shalt  }
0x65: {  	_ =	shalt  }
0x66: {  	_ =	shalt  }
0x67: {  	_ =	shalt  }
0x68: {  	_ =	shalt  }
0x69: {  	_ =	shalt  }
0x6a: {  	_ =	shalt  }
0x6b: {  	_ =	shalt  }
0x6c: {  	_ =	shalt  }
0x6d: {  	_ =	shalt  }
0x6e: {  	_ =	shalt  }
0x6f: {  	_ =	shalt  }
0x70: {  	_ =	shalt  }
0x71: {  	_ =	shalt  }
0x72: {  	_ =	shalt  }
0x73: {  	_ =	shalt  }
0x74: {  	_ =	shalt  }
0x75: {  	_ =	shalt  }
0x76: {  	_ =	shalt  }
0x77: {  	_ =	shalt  }
0x78: {  	_ =	shalt  }
0x79: {  	_ =	shalt  }
0x7a: {  	_ =	shalt  }
0x7b: {  	_ =	shalt  }
0x7c: {  	_ =	shalt  }
0x7d: {  	_ =	shalt  }
0x7e: {  	_ =	shalt  }
0x7f: {  	_ =	shalt  }
0x80: {  	_ =	shalt  }
0x81: {  	_ =	shalt  }
0x82: {  	_ =	shalt  }
0x83: {  	_ =	shalt  }
0x84: {  	_ =	shalt  }
0x85: {  	_ =	shalt  }
0x86: {  	_ =	shalt  }
0x87: {  	_ =	shalt  }
.Lfunc_end0:
.L_simem_size_0:
called_computation_lowered:
.L_overlay_start_0:
0x88: {  	s2 =	sld [smem:$0x3FD9]  }
0x89: {  	s3 =	sld [smem:$0x3FFE];
	_ =	sdelay $0x1  }
0x8a: {  	s1 =	srdreg.scid  }
0x8b: {  	s0 =	sand.u32 $0x1, s1  }
0x8c: {  	s17 =	sshll.u32 s0, $0xA;
	s2 =	sadd.s32 s3, s2  }
0x8d: {  	s2 =	sadd.s32 s2, s17  }
0x8e: {  	[smem:$0x3FC4] =	sst s2  }
0x8f: {  	_ = 	snop  }
0x90: {  	s2 =	sld [smem:$0x3FC8]  }
0x91: {  	s18 =	sld [smem:$0x3FC7]  }
0x92: {  	s4 =	sld [smem:$0x3FC6]  }
0x93: {  	s5 =	sld [smem:$0x3FD0];
	(tm) =	ssettm $0x1  }
0x94: {  	s6 =	sld [smem:$0x3FFB];
	_ =	sdelay $0x3  }
0x95: {  	_ =	strace s6  }
0x96: {  	s6 =	sld [smem:$0x3FFC];
	_ =	sdelay $0x3  }
0x97: {  	_ =	strace s6  }
0x98: {  	s6 =	sld [smem:$0x3FFD];
	_ =	sdelay $0x3  }
0x99: {  	_ =	strace s6  }
0x9a: {  	_ =	strace $0x8FFFFFFF  }
0x9b: {  	s19 =	sld [smem:$0x3FDB];
	_ =	sdelay $0x1  }
0x9c: {  	s7 =	simm.s32 $_scs_section_size  }
0x9d: {  	s8 =	simm.s32 $_size__tile_overlayer_lowered;
	s9 =	simm.s32 $_tile_overlayer_lowered  }
0x9e: {  	s22 =	simm.s32 $0x1BFF;
	s21 =	sshll.u32 s9, $0x1;
	s6 =	sadd.s32 s7, s19  }
0x9f: {  	s10 =	simm.s32 $0x0;
	s20 =	sshll.u32 s8, $0x1;
	s8 =	sadd.s32 s21, s6  }
0xa0: {  	[timem:s10], [sflag:s22] =	dma.local [hbm:s8], s20  }
0xa1: {  	_ =	swait.ge [sflag:s22], s20  }
0xa2: {  	s7 =	ssub.s32 $0x0, s20;
	[sflag:s22] =	ssyncset.done $0x0  }
0xa3: {  	[sflag:s22] =	ssyncadd.s32 s7;
	_ =	sdelay $0x1  }
0xa4: {  	s23 =	simm.s32 $0x1B8B  }
0xa5: {  	_ =	swait.ge [sflag:s23], $0x1  }
0xa6: {  	[sflag:s23] =	ssyncset.done $0x0  }
0xa7: {  	s25 =	simm.s32 $0x1B8E;
	s24 =	sld [smem:$0x3FFE];
	[sflag:s23] =	ssyncadd.s32 $0xFFFFFFFF  }
0xa8: {  	s26 =	simm.s32 $execute0_lowered;
	[smem:$0x3FD2] =	sst s25  }
0xa9: {  	s8 =	sshll.u32 s26, $0x1;
	_ =	strace $0x80000046;
	[dreg:$0x1] =	wrdreg $0xFFFFFFFF  }
0xaa: {  	s28 =	simm.s32 $_size_execute0_lowered;
	s6 =	sadd.s32 s6, s8;
	[dreg:$0x0] =	wrdreg $0x0  }
0xab: {  	s8 =	sshll.u32 s28, $0x1;
	[dreg:$0x2] =	wrdreg s6  }
0xac: {  	[dreg:$0x3] =	wrdreg s8  }
0xad: {  	[dreg:$0x4] =	wrdreg $0xC0  }
0xae: {  	_ =	task [dreg:s10], $0x5FFFF  }
0xaf: {  	[dreg:$0x1] =	wrdreg $0xFFFFFFFF  }
0xb0: {  	[dreg:$0x0] =	wrdreg $0x60  }
0xb1: {  	[dreg:$0x2] =	wrdreg s24  }
0xb2: {  	[dreg:$0x3] =	wrdreg s2  }
0xb3: {  	[dreg:$0x4] =	wrdreg s18  }
0xb4: {  	[dreg:$0x5] =	wrdreg s4  }
0xb5: {  	[dreg:$0x6] =	wrdreg s5  }
0xb6: {  	[dreg:$0x7] =	wrdreg $0x6C000  }
0xb7: {  	[dreg:$0x8] =	wrdreg $0x9  }
0xb8: {  	_ =	task.clear_ibuf [dreg:s10], $0x9FFFF;
	_ =	strace $0x90000046  }
0xb9: {  	s29 =	simm.s32 $0x9;
	_ =	strace $0x80000048  }
0xba: {  	_ =	swait.ge [sflag:s29], $0x1  }
0xbb: {  	[sflag:s29] =	ssyncadd.s32 $0xFFFFFFFF  }
0xbc: {  	_ =	strace $0x90000048  }
0xbd: {  	_ =	sfence  }
0xbe: {  	s30 =	sld [smem:$0x0];
	_ =	sdelay $0x2  }
0xbf: {  	s31 =	sshll.u32 s1, $0xD;
	s1 =	sshrl.u32 s1, $0x2  }
0xc0: {  	s3 =	sand.u32 $0x4000, s31;
	s1 =	sadd.s32 s1, s30  }
0xc1: {  	s0 =	sor.u32 s3, s0;
	s1 =	sshll.u32 s1, $0x11  }
0xc2: {  	s0 =	sor.u32 s1, s0  }
0xc3: {  	s0 =	sadd.s32 $0x8F2B, s0  }
0xc4: {  	[sflag:s0] =	ssyncadd.remote.s32 $0x1  }
0xc5: {  	_ =	sfence.sel $0xFFFF  }
0xc6: {  	[dreg:$0x0] =	wrdreg $0xFFFFFFFF;
	(pc) =	sbr.abs _section_cstart, $3  }
0xc7: {  	[dreg:$0x1] =	wrdreg $0xFFFFFFFF  }
0xc8: {  	_ =	task.clear_ibuf [dreg:s10], $0x2FFFF;
	_ =	strace $0x9FFFFFFF  }
0xc9: {  	(tm) =	ssettm $0x7FFFFFFF  }
tec
execute0_lowered:
.L_overlay_start_1:
0x0: {  	(tag) =	ssettag $0x1  }
0x1: {  	s6 =	rddreg [dreg:$0x0]  }
0x2: {  	s1 =	rddreg [dreg:$0x1]  }
0x3: {  	s2 =	rddreg [dreg:$0x2]  }
0x4: {  	s10 =	rddreg [dreg:$0x3];
	s3 =	srdreg.scid  }
0x5: {  	s0 =	stileid.u32;
	s16 =	rddreg [dreg:$0x4]  }
0x6: {  	s4 =	rddreg [dreg:$0x5];
	s5 =	simm.s32 $0x0;
	s9 =	sand.u32 $0x1, s3  }
0x7: {  	s21 =	sshll.u32 s0, $0x1;
	s3 =	rddreg [dreg:$0x6];
	s11 =	smul.u32 $0x280, s0  }
0x8: {  	[smem:$0x7FF] =	sst s5;
	s28 =	smul.u32 $0x14000, s0;
	s7 =	sor.u32 s9, s21  }
0x9: {  	s8 =	ssub.s32 $0x2, s9;
	_ =	strace $0x80000047;
	s18 =	smul.u32 $0x140000, s9  }
0xa: {  	s21 =	simm.s32 $0x1;
	s7 =	smul.u32 $0x580, s7;
	s12 =	sshrl.u32 s8, $0x1  }
0xb: {  	s22 =	sadd.s32 $0x80, s11;
	s23 =	sshrl.u32 s11, $0x3;
	s14 =	sadd.s32 $0x100, s11  }
0xc: {  	s15 =	sadd.s32 $0x180, s11;
	s19 =	sadd.s32 $0x200, s11;
	s17 =	ssub.s32 s8, s12  }
0xd: {  	s24 =	sshrl.u32 s22, $0x3;
	s25 =	sshrl.u32 s14, $0x3;
	s26 =	sshrl.u32 s15, $0x3  }
0xe: {  	s20 =	sshrl.u32 s19, $0x3;
	s12 =	sshll.u32 s22, $0x7;
	s29 =	sadd.s32 s28, s18  }
0xf: {  	s14 =	sshll.u32 s14, $0x7;
	s15 =	sshll.u32 s15, $0x7;
	s19 =	sshll.u32 s19, $0x7  }
0x10: {  	s22 =	simm.s32 $0x2;
	s13 =	sadd.s32 s7, s6;
	s6 =	sadd.s32 s10, s23  }
0x11: {  	s7 =	sadd.s32 s10, s24;
	s8 =	sadd.s32 s10, s25;
	s9 =	sadd.s32 s10, s26  }
0x12: {  	s10 =	sadd.s32 s10, s20;
	s12 =	sadd.s32 s18, s12;
	s30 =	sshrl.u32 s29, $0x3  }
0x13: {  	s14 =	sadd.s32 s18, s14;
	s15 =	sadd.s32 s18, s15;
	s18 =	sadd.s32 s18, s19  }
0x14: {  	s17 =	smax.u32 s17, $0x1;
	s19 =	simm.s32 $0x3;
	s20 =	simm.s32 $0x80  }
0x15: {  	s23 =	simm.s32 $0x0;
	s11 =	sadd.s32 $0x400, s13;
	s31 =	sshrl.u32 s12, $0x3  }
0x16: {  	s12 =	sadd.s32 s16, s30;
	s14 =	sshrl.u32 s14, $0x3;
	s15 =	sshrl.u32 s15, $0x3  }
0x17: {  	s18 =	sshrl.u32 s18, $0x3;
	s13 =	sadd.s32 s16, s31;
	s14 =	sadd.s32 s16, s14  }
0x18: {  	s15 =	sadd.s32 s16, s15;
	s16 =	sadd.s32 s16, s18;
	s18 =	simm.s32 $0x2C00  }
.LBB2_1:
0x19: {  	[tilespmem:s18], [sflag:$0x3] =	stream.linear.gather [hbm4b:s2+s5], $0x4000, $0x38;
	[tilespmem:$0x1AC00] =	vst v63  }
0x1a: {  	_ =	swait.ge [sflag:s19], $0x4000  }
0x1b: {  	[sflag:s19] =	ssyncset.done $0x0  }
0x1c: {  	[sflag:s19] =	ssyncadd.s32 $0xFFFFC000  }
0x1d: {  	[tilespmem:s5], [sflag:$0x3] =	stream.linear.gather [hbm4b:s6+s5], $0x80, $0x38;
	[tilespmem:$0x1AC00] =	vst v63  }
0x1e: {  	_ =	swait.ge [sflag:s19], $0x80  }
0x1f: {  	[sflag:s19] =	ssyncset.done $0x0  }
0x20: {  	[sflag:s19] =	ssyncadd.s32 $0xFFFFFF80  }
0x21: {  	[spmem:s4] =	stream.indirect.scatter [tilespmem:s18], [sflag:$0x1], $0x80, s5, s20, $0xb8;
	[tilespmem:$0x1AC00] =	vst v63  }
0x22: {  	_ =	swait.ge [sflag:s21], $0x4000  }
0x23: {  	[sflag:s21] =	ssyncset.done $0x0  }
0x24: {  	[sflag:s21] =	ssyncadd.s32 $0xFFFFC000  }
0x25: {  	[tilespmem:s5], [sflag:$0x3] =	stream.linear.gather [hbm4b:s7+s5], $0x80, $0x38;
	[tilespmem:$0x1AC00] =	vst v63  }
0x26: {  	_ =	swait.ge [sflag:s19], $0x80  }
0x27: {  	[sflag:s19] =	ssyncset.done $0x0  }
0x28: {  	[sflag:s19] =	ssyncadd.s32 $0xFFFFFF80  }
0x29: {  	[spmem:s4] =	stream.indirect.scatter [tilespmem:s18], [sflag:$0x1], $0x80, s5, s20, $0xb8;
	[tilespmem:$0x1AC00] =	vst v63  }
0x2a: {  	_ =	swait.ge [sflag:s21], $0x4000  }
0x2b: {  	[sflag:s21] =	ssyncset.done $0x0  }
0x2c: {  	[sflag:s21] =	ssyncadd.s32 $0xFFFFC000  }
0x2d: {  	[tilespmem:s5], [sflag:$0x3] =	stream.linear.gather [hbm4b:s8+s5], $0x80, $0x38;
	[tilespmem:$0x1AC00] =	vst v63  }
0x2e: {  	_ =	swait.ge [sflag:s19], $0x80  }
0x2f: {  	[sflag:s19] =	ssyncset.done $0x0  }
0x30: {  	[sflag:s19] =	ssyncadd.s32 $0xFFFFFF80  }
0x31: {  	[spmem:s4] =	stream.indirect.scatter [tilespmem:s18], [sflag:$0x1], $0x80, s5, s20, $0xb8;
	[tilespmem:$0x1AC00] =	vst v63  }
0x32: {  	_ =	swait.ge [sflag:s21], $0x4000  }
0x33: {  	[sflag:s21] =	ssyncset.done $0x0  }
0x34: {  	[sflag:s21] =	ssyncadd.s32 $0xFFFFC000  }
0x35: {  	[tilespmem:s5], [sflag:$0x3] =	stream.linear.gather [hbm4b:s9+s5], $0x80, $0x38;
	[tilespmem:$0x1AC00] =	vst v63  }
0x36: {  	_ =	swait.ge [sflag:s19], $0x80  }
0x37: {  	[sflag:s19] =	ssyncset.done $0x0  }
0x38: {  	[sflag:s19] =	ssyncadd.s32 $0xFFFFFF80  }
0x39: {  	[spmem:s4] =	stream.indirect.scatter [tilespmem:s18], [sflag:$0x1], $0x80, s5, s20, $0xb8;
	[tilespmem:$0x1AC00] =	vst v63  }
0x3a: {  	_ =	swait.ge [sflag:s21], $0x4000  }
0x3b: {  	[sflag:s21] =	ssyncset.done $0x0  }
0x3c: {  	[sflag:s21] =	ssyncadd.s32 $0xFFFFC000  }
0x3d: {  	[tilespmem:s5], [sflag:$0x3] =	stream.linear.gather [hbm4b:s10+s5], $0x80, $0x38;
	[tilespmem:$0x1AC00] =	vst v63  }
0x3e: {  	_ =	swait.ge [sflag:s19], $0x80  }
0x3f: {  	[sflag:s19] =	ssyncset.done $0x0  }
0x40: {  	[sflag:s19] =	ssyncadd.s32 $0xFFFFFF80  }
0x41: {  	[spmem:s4] =	stream.indirect.scatter [tilespmem:s18], [sflag:$0x1], $0x80, s5, s20, $0xb8;
	[tilespmem:$0x1AC00] =	vst v63  }
0x42: {  	_ =	swait.ge [sflag:s21], $0x4000  }
0x43: {  	[sflag:s21] =	ssyncset.done $0x0  }
0x44: {  	[sflag:s21] =	ssyncadd.s32 $0xFFFFC000  }
0x45: {  	[tilespmem:s5], [sflag:$0x3] =	stream.linear.gather [hbm4b:s11+s5], $0x2880, $0x38;
	[tilespmem:$0x1AC00] =	vst v63  }
0x46: {  	_ =	swait.ge [sflag:s19], $0x2880  }
0x47: {  	[sflag:s19] =	ssyncset.done $0x0  }
0x48: {  	[sflag:s19] =	ssyncadd.s32 $0xFFFFD780  }
0x49: {  	[tilespmem:s18], [sflag:$0x3] =	stream.linear.gather [hbm4b:s1+s5], $0x4000, $0x38;
	[tilespmem:$0x1AC00] =	vst v63  }
0x4a: {  	_ =	swait.ge [sflag:s19], $0x4000  }
0x4b: {  	[sflag:s19] =	ssyncset.done $0x0  }
0x4c: {  	[sflag:s19] =	ssyncadd.s32 $0xFFFFC000  }
0x4d: {  	s24 =	simm.s32 $0x0;
	[bflag:$0x0] =	sbarrier.arrive $0xFFFF  }
0x4e: {  	[spmem:s4] =	stream.indirect.scatter.add.f32 [tilespmem:s18], [sflag:$0x3], $0x80, s24, s20, $0xb8;
	[tilespmem:$0x1AC00] =	vst v63  }
0x4f: {  	_ =	swait.ge [sflag:s19], $0x4000  }
0x50: {  	s24 =	simm.s32 $0x200;
	[sflag:s19] =	ssyncset.done $0x0  }
.LBB2_2:
0x51: {  	s25 =	sshra.s32 s24, $0x2;
	[sflag:s19] =	ssyncadd.s32 $0xFFFFC000;
	p0 =	sne.s32 s24, $0xA000  }
0x52: {  	[spmem:s4] =	stream.indirect.scatter.add.f32 [tilespmem:s18], [sflag:$0x3], $0x80, s25, s20, $0xb8;
	[tilespmem:$0x1AC00] =	vst v63  }
.Ltmp0:
0x53: {  	_ = 	snop;
	(pc) =	sbr.rel @p0 .LBB2_2-.Ltmp0, $4  }
0x54: {  	_ = 	snop  }
0x55: {  	s24 =	sadd.s32 $0x200, s24  }
0x56: {  	_ =	swait.ge [sflag:s19], $0x4000  }
0x57: {  	[sflag:s19] =	ssyncset.done $0x0  }
0x58: {  	[sflag:s19] =	ssyncadd.s32 $0xFFFFC000  }
0x59: {  	[bflag:$0x0] =	sbarrier.arrive $0xFFFF  }
0x5a: {  	[tilespmem:s5], [sflag:$0x3] =	stream.linear.gather [hbm4b:s6+s5], $0x80, $0x38;
	[tilespmem:$0x1AC00] =	vst v63  }
0x5b: {  	_ =	swait.ge [sflag:s19], $0x80  }
0x5c: {  	[sflag:s19] =	ssyncset.done $0x0  }
0x5d: {  	[sflag:s19] =	ssyncadd.s32 $0xFFFFFF80  }
0x5e: {  	[tilespmem:s18], [sflag:$0x2] =	stream.indirect.gather [spmem:s4], $0x80, s5, s20, $0xb8;
	[tilespmem:$0x1AC00] =	vst v63  }
0x5f: {  	_ =	swait.ge [sflag:s22], $0x4000  }
0x60: {  	[sflag:s22] =	ssyncset.done $0x0  }
0x61: {  	[sflag:s22] =	ssyncadd.s32 $0xFFFFC000  }
0x62: {  	[hbm4b:s12+s5] =	stream.linear.scatter [tilespmem:s18], [sflag:$0x3], $0x4000, $0x38;
	[tilespmem:$0x1AC00] =	vst v63  }
0x63: {  	_ =	swait.ge [sflag:s19], $0x4000  }
0x64: {  	[sflag:s19] =	ssyncset.done $0x0  }
0x65: {  	[sflag:s19] =	ssyncadd.s32 $0xFFFFC000  }
0x66: {  	[tilespmem:s5], [sflag:$0x3] =	stream.linear.gather [hbm4b:s7+s5], $0x80, $0x38;
	[tilespmem:$0x1AC00] =	vst v63  }
0x67: {  	_ =	swait.ge [sflag:s19], $0x80  }
0x68: {  	[sflag:s19] =	ssyncset.done $0x0  }
0x69: {  	[sflag:s19] =	ssyncadd.s32 $0xFFFFFF80  }
0x6a: {  	[tilespmem:s18], [sflag:$0x2] =	stream.indirect.gather [spmem:s4], $0x80, s5, s20, $0xb8;
	[tilespmem:$0x1AC00] =	vst v63  }
0x6b: {  	_ =	swait.ge [sflag:s22], $0x4000  }
0x6c: {  	[sflag:s22] =	ssyncset.done $0x0  }
0x6d: {  	[sflag:s22] =	ssyncadd.s32 $0xFFFFC000  }
0x6e: {  	[hbm4b:s13+s5] =	stream.linear.scatter [tilespmem:s18], [sflag:$0x3], $0x4000, $0x38;
	[tilespmem:$0x1AC00] =	vst v63  }
0x6f: {  	_ =	swait.ge [sflag:s19], $0x4000  }
0x70: {  	[sflag:s19] =	ssyncset.done $0x0  }
0x71: {  	[sflag:s19] =	ssyncadd.s32 $0xFFFFC000  }
0x72: {  	[tilespmem:s5], [sflag:$0x3] =	stream.linear.gather [hbm4b:s8+s5], $0x80, $0x38;
	[tilespmem:$0x1AC00] =	vst v63  }
0x73: {  	_ =	swait.ge [sflag:s19], $0x80  }
0x74: {  	[sflag:s19] =	ssyncset.done $0x0  }
0x75: {  	[sflag:s19] =	ssyncadd.s32 $0xFFFFFF80  }
0x76: {  	[tilespmem:s18], [sflag:$0x2] =	stream.indirect.gather [spmem:s4], $0x80, s5, s20, $0xb8;
	[tilespmem:$0x1AC00] =	vst v63  }
0x77: {  	_ =	swait.ge [sflag:s22], $0x4000  }
0x78: {  	[sflag:s22] =	ssyncset.done $0x0  }
0x79: {  	[sflag:s22] =	ssyncadd.s32 $0xFFFFC000  }
0x7a: {  	[hbm4b:s14+s5] =	stream.linear.scatter [tilespmem:s18], [sflag:$0x3], $0x4000, $0x38;
	[tilespmem:$0x1AC00] =	vst v63  }
0x7b: {  	_ =	swait.ge [sflag:s19], $0x4000  }
0x7c: {  	[sflag:s19] =	ssyncset.done $0x0  }
0x7d: {  	[sflag:s19] =	ssyncadd.s32 $0xFFFFC000  }
0x7e: {  	[tilespmem:s5], [sflag:$0x3] =	stream.linear.gather [hbm4b:s9+s5], $0x80, $0x38;
	[tilespmem:$0x1AC00] =	vst v63  }
0x7f: {  	_ =	swait.ge [sflag:s19], $0x80  }
0x80: {  	[sflag:s19] =	ssyncset.done $0x0  }
0x81: {  	[sflag:s19] =	ssyncadd.s32 $0xFFFFFF80  }
0x82: {  	[tilespmem:s18], [sflag:$0x2] =	stream.indirect.gather [spmem:s4], $0x80, s5, s20, $0xb8;
	[tilespmem:$0x1AC00] =	vst v63  }
0x83: {  	_ =	swait.ge [sflag:s22], $0x4000  }
0x84: {  	[sflag:s22] =	ssyncset.done $0x0  }
0x85: {  	[sflag:s22] =	ssyncadd.s32 $0xFFFFC000  }
0x86: {  	[hbm4b:s15+s5] =	stream.linear.scatter [tilespmem:s18], [sflag:$0x3], $0x4000, $0x38;
	[tilespmem:$0x1AC00] =	vst v63  }
0x87: {  	_ =	swait.ge [sflag:s19], $0x4000  }
0x88: {  	[sflag:s19] =	ssyncset.done $0x0  }
0x89: {  	[sflag:s19] =	ssyncadd.s32 $0xFFFFC000  }
0x8a: {  	[tilespmem:s5], [sflag:$0x3] =	stream.linear.gather [hbm4b:s10+s5], $0x80, $0x38;
	[tilespmem:$0x1AC00] =	vst v63  }
0x8b: {  	_ =	swait.ge [sflag:s19], $0x80  }
0x8c: {  	[sflag:s19] =	ssyncset.done $0x0  }
0x8d: {  	[sflag:s19] =	ssyncadd.s32 $0xFFFFFF80  }
0x8e: {  	[tilespmem:s18], [sflag:$0x2] =	stream.indirect.gather [spmem:s4], $0x80, s5, s20, $0xb8;
	[tilespmem:$0x1AC00] =	vst v63  }
0x8f: {  	s23 =	sadd.s32 $0x1, s23;
	_ =	swait.ge [sflag:s22], $0x4000  }
0x90: {  	p0 =	sne.s32 s23, s17;
	[sflag:s22] =	ssyncset.done $0x0  }
.Ltmp1:
0x91: {  	[sflag:s22] =	ssyncadd.s32 $0xFFFFC000;
	(pc) =	sbr.rel @p0 .LBB2_1-.Ltmp1, $4  }
0x92: {  	[hbm4b:s16+s5] =	stream.linear.scatter [tilespmem:s18], [sflag:$0x3], $0x4000, $0x38;
	[tilespmem:$0x1AC00] =	vst v63  }
0x93: {  	_ =	swait.ge [sflag:s19], $0x4000  }
0x94: {  	[sflag:s19] =	ssyncset.done $0x0  }
0x95: {  	[sflag:s19] =	ssyncadd.s32 $0xFFFFC000  }
0x96: {  	_ =	sfence.sel $0x180000  }
0x97: {  	[bflag:$0x0] =	sbarrier.arrive $0xFFFF  }
0x98: {  	p0 =	sne.s32 s0, $0x0;
	_ =	strace $0x90000047  }
0x99: {  	s0 =	sadd.s32 @!p0 $0x100000, s3;
	[bflag:$0x2] =	sbarrier.arrive $0xFFFF  }
0x9a: {  	[sflag:s0] =	ssyncadd.tile.s32 @!p0 $0x1;
	_ =	shalt  }
.Lfunc_end2:
_tile_overlayer_lowered:
.L_overlay_start_2:
0x9b: {  	(tag) =	ssettag $0x2  }
0x9c: {  	s0 =	rddreg [dreg:$0x0];
	s2 =	stileid.u32  }
0x9d: {  	s1 =	rddreg [dreg:$0x1];
	p0 =	sne.s32 s2, $0x0  }
0x9e: {  	s3 =	rddreg [dreg:$0x2];
	[bflag:$0x3] =	sbarrier.arrive $0xFFFF;
	s2 =	simm.s32 @!p0 $0x1C03  }
0x9f: {  	[timem:s3], [sflag:s2] =	dma.local @!p0 [hbm:s0], s1  }
0xa0: {  	s0 =	simm.s32 @!p0 $0x3  }
0xa1: {  	_ =	swait.ge @!p0 [sflag:s0], s1  }
0xa2: {  	s1 =	ssub.s32 @!p0 $0x0, s1;
	[sflag:s0] =	ssyncset.done @!p0 $0x0  }
0xa3: {  	[sflag:s0] =	ssyncadd.s32 @!p0 s1  }
0xa4: {  	[bflag:$0x3] =	sbarrier.arrive $0xFFFF  }
0xa5: {  	_ =	shalt  }

</sc_bundles>
